<compile_context>
chip_gen: v7x
topology: tpu7x:2x2x1
jax: 0.10.2.dev20260603
libtpu: 0.0.44.dev20260713+nightly
codegen_flags: <defaults>
</compile_context>

<pallas_src>
import functools

import jax
import jax.numpy as jnp
from jax import lax
from jax.experimental import pallas as pl
from jax.experimental.pallas import tpu as pltpu
from jax.experimental.pallas import tpu_sc as plsc

DEP = 128
SLOT = 128
GROUPS = 2
GROUP_SIZE = 1024
TOTAL = GROUPS * GROUP_SIZE

NC = 2
NS = 16
NW = NC * NS
D_PER_W = DEP // NW

CH = 128
NBUF = 3
M_SC = 3
SC_ITEMS = M_SC * CH
BPG = SC_ITEMS // 16
NDG = D_PER_W * GROUPS
NCHTOT = NDG * M_SC
NB16 = NDG * BPG
CHB = CH // 16

DB_TC = 32
TC_ITEMS = GROUP_SIZE - SC_ITEMS


def _bcast_idx(i):
    return jnp.full((16,), i, jnp.int32)


_GDN = lax.GatherDimensionNumbers(
    offset_dims=(), collapsed_slice_dims=(0,), start_index_map=(0,))


def _lane_bcast(v16, l):
    return lax.gather(v16, _bcast_idx(l)[:, None], _GDN, slice_sizes=(1,),
                      mode=lax.GatherScatterMode.PROMISE_IN_BOUNDS)


def _sc_body(addr_hbm, embt_hbm, freq_hbm, out_hbm,
             freq_v, fd_all, et_all, abuf, ov, sem0, sem1, sem2):
    wid = lax.axis_index("s") * NC + lax.axis_index("c")
    dd0 = wid * D_PER_W
    sems = (sem0, sem1, sem2)

    def chunk_src(gc):
        idx_dg = lax.div(gc, M_SC)
        c = lax.rem(gc, M_SC)
        dl = lax.div(idx_dg, GROUPS)
        g = lax.rem(idx_dg, GROUPS)
        return addr_hbm.at[dd0 + dl, pl.ds(g * GROUP_SIZE + c * CH, CH)]

    def issue(gc, b):
        pltpu.make_async_copy(
            chunk_src(gc), abuf.at[pl.ds(b * CH, CH)], sems[b]).start()

    pltpu.sync_copy(freq_hbm, freq_v)
    pltpu.sync_copy(embt_hbm.at[pl.ds(dd0, D_PER_W)], et_all)
    issue(0, 0)
    issue(1, 1)

    def fd_body(t, _):
        dl = lax.div(t, TOTAL // 16)
        o = lax.rem(t, TOTAL // 16) * 16
        fd_all[dl, pl.ds(o, 16)] = et_all[dl, pl.ds(o, 16)] * freq_v[pl.ds(o, 16)]
        return 0

    lax.fori_loop(0, D_PER_W * (TOTAL // 16), fd_body, 0)

    def blk_body(i16, acc):
        gc = lax.div(i16, CHB)
        at_chunk = lax.rem(i16, CHB) == 0
        for b in range(NBUF):
            @pl.when(jnp.logical_and(at_chunk, lax.rem(gc, NBUF) == b))
            def _ring(b=b):
                b2 = (b + 2) % NBUF

                @pl.when(gc + 2 < NCHTOT)
                def _issue():
                    issue(gc + 2, b2)

                pltpu.make_async_copy(
                    addr_hbm.at[0, pl.ds(0, CH)],
                    abuf.at[pl.ds(b * CH, CH)], sems[b]).wait()

        idx_dg = lax.div(i16, BPG)
        loc = lax.rem(i16, BPG)
        at_dg = loc == 0

        @pl.when(jnp.logical_and(at_dg, i16 > 0))
        def _flush():
            pdg = idx_dg - 1
            for j in range(8):
                ov[pl.ds(pdg * SLOT + j * 16, 16)] = acc[j]

        zero = jnp.zeros((16,), jnp.float32)
        acc = [jnp.where(at_dg, zero, a) for a in acc]

        dl = lax.div(idx_dg, GROUPS)
        g = lax.rem(idx_dg, GROUPS)
        f16 = fd_all[dl, pl.ds(g * GROUP_SIZE + loc * 16, 16)]
        r0 = lax.rem(gc, NBUF) * CH + lax.rem(i16, CHB) * 16
        for l in range(16):
            fbc = _lane_bcast(f16, l)
            for j in range(8):
                acc[j] = acc[j] + fbc * abuf[r0 + l, pl.ds(j * 16, 16)]
        return tuple(acc)

    zero = jnp.zeros((16,), jnp.float32)
    acc = lax.fori_loop(0, NB16, blk_body, (zero,) * 8)
    for j in range(8):
        ov[pl.ds((NDG - 1) * SLOT + j * 16, 16)] = acc[j]

    for dl in range(D_PER_W):
        for g in range(GROUPS):
            pltpu.sync_copy(ov.at[pl.ds((dl * GROUPS + g) * SLOT, SLOT)],
                            out_hbm.at[g, dd0 + dl])


def _sc_part(batch_address, embt, batch_frequency):
    mesh = plsc.VectorSubcoreMesh(core_axis_name="c", subcore_axis_name="s")
    f = functools.partial(
        pl.kernel,
        mesh=mesh,
        out_type=jax.ShapeDtypeStruct((GROUPS, DEP, SLOT), jnp.float32),
        scratch_types=[
            pltpu.VMEM((TOTAL,), jnp.float32),
            pltpu.VMEM((D_PER_W, TOTAL), jnp.float32),
            pltpu.VMEM((D_PER_W, TOTAL), jnp.float32),
            pltpu.VMEM((NBUF * CH, SLOT), jnp.float32),
            pltpu.VMEM((NDG * SLOT,), jnp.float32),
            pltpu.SemaphoreType.DMA,
            pltpu.SemaphoreType.DMA,
            pltpu.SemaphoreType.DMA,
        ],
    )(_sc_body)
    return f(batch_address, embt, batch_frequency)


def _tc_body(addr_ref, embt_ref, freq_ref, mem_ref, out_ref):
    k = pl.program_id(1)
    a = addr_ref[...]
    ft = embt_ref[...] * freq_ref[...]
    contrib = jnp.sum(a * ft[:, :, None], axis=1)

    @pl.when(k == 0)
    def _init():
        out_ref[...] = mem_ref[...] + contrib[None]

    @pl.when(k != 0)
    def _acc():
        out_ref[...] += contrib[None]


IB_TC = 128
NIB_TC = TC_ITEMS // IB_TC


def _tc_part(batch_address, embt, freq2d, memory_matrix):
    off = SC_ITEMS // IB_TC
    npg = GROUP_SIZE // IB_TC
    grid = (GROUPS, NIB_TC)
    return pl.pallas_call(
        _tc_body,
        grid=grid,
        in_specs=[
            pl.BlockSpec((DEP, IB_TC, SLOT), lambda g, k: (0, g * npg + off + k, 0)),
            pl.BlockSpec((DEP, IB_TC), lambda g, k: (0, g * npg + off + k)),
            pl.BlockSpec((1, IB_TC), lambda g, k: (0, g * npg + off + k)),
            pl.BlockSpec((1, DEP, SLOT), lambda g, k: (g, 0, 0)),
        ],
        out_specs=pl.BlockSpec((1, DEP, SLOT), lambda g, k: (g, 0, 0)),
        out_shape=jax.ShapeDtypeStruct((GROUPS, DEP, SLOT), jnp.float32),
        compiler_params=pltpu.CompilerParams(
            dimension_semantics=("arbitrary", "arbitrary"),
        ),
    )(batch_address, embt, freq2d, memory_matrix)


def kernel(batch_address, batch_embedding, batch_frequency, memory_matrix):
    embt = batch_embedding.T
    sc_out = _sc_part(batch_address, embt, batch_frequency)
    tc_out = _tc_part(batch_address, embt, batch_frequency[None, :],
                      memory_matrix)
    return sc_out + tc_out

# --- scband reference (transcript-rebuilt; emitter-appended) ---
"""Pipeline reference for scband-memory-module-60395830116747 (READ-ONLY COPY).

The authoritative reference and input builder live on the scoring server;
editing this copy changes nothing except your own understanding.
"""

import jax, jax.numpy as jnp
import numpy as np

SLOT_DIM = 128
DEP_DIM = 128
ITEM_SIZES = (1024, 1024)  # must sum to batch_address.shape[1]; len must equal memory batch dim (2)
TOTAL = sum(ITEM_SIZES)


def setup_inputs(seed: int = 0) -> dict:
    key = jax.random.key(seed)
    k1, k2, k3 = jax.random.split(key, 3)
    batch_address = jax.random.uniform(k1, (DEP_DIM, TOTAL, SLOT_DIM), dtype=jnp.float32)
    batch_embedding = jax.random.normal(k2, (TOTAL, DEP_DIM), dtype=jnp.float32)
    batch_frequency = jax.random.uniform(k3, (TOTAL,), dtype=jnp.float32)
    # learned/state parameter: memory matrix, initialized to zeros as in the torch module
    memory_matrix = jnp.zeros((len(ITEM_SIZES), DEP_DIM, SLOT_DIM), dtype=jnp.float32)
    return {
        "batch_address": batch_address,
        "batch_embedding": batch_embedding,
        "batch_frequency": batch_frequency,
        "memory_matrix": memory_matrix,
    }


def reference(batch_address, batch_embedding, batch_frequency, memory_matrix):
    # Faithful translation of MemoryModule.write: per item-group, accumulate the
    # frequency-weighted outer-product write matrix address^T @ (emb * freq)
    # and scatter-add it into the persistent memory matrix.
    batch_f_embedding = batch_embedding * batch_frequency[:, None]  # (TOTAL, DEP_DIM)
    memory_matrix_list = []
    start_pos = 0
    for item_size in ITEM_SIZES:
        f_embedding_t = batch_f_embedding[start_pos:start_pos + item_size, :].T  # (DEP_DIM, item_size)
        address_t = jnp.transpose(batch_address[:, start_pos:start_pos + item_size, :], (0, 2, 1))  # (DEP_DIM, SLOT_DIM, item_size)
        f_embedding_t = f_embedding_t[:, :, None]  # (DEP_DIM, item_size, 1)
        write_matrix = jnp.squeeze(jnp.matmul(address_t, f_embedding_t), axis=2)  # (DEP_DIM, SLOT_DIM)
        start_pos += item_size
        memory_matrix_list.append(write_matrix)
    memory_matrix_data = jnp.stack(memory_matrix_list, axis=0)  # (2, DEP_DIM, SLOT_DIM)
    return memory_matrix + memory_matrix_data

if __name__ == "__main__":
    import jax
    _d = setup_inputs()
    print(jax.jit(kernel)(*tuple(_d.values())))

</pallas_src>

<mosaic_0001>
#map = affine_map<(d0, d1) -> (0, 0, 0)>
#map1 = affine_map<(d0, d1) -> (0, 0)>
#map2 = affine_map<(d0, d1) -> (0)>
module attributes {stable_mosaic.version = 14 : i64} {
  func.func @_sc_body(%arg0: i32, %arg1: i32, %arg2: memref<128x2048x128xf32, #tpu.memory_space<hbm>>, %arg3: memref<128x2048xf32, #tpu.memory_space<hbm>>, %arg4: memref<2048xf32, #tpu.memory_space<hbm>>, %arg5: memref<2x128x128xf32, #tpu.memory_space<hbm>>, %arg6: memref<2048xf32, #tpu.memory_space<vmem>>, %arg7: memref<4x2048xf32, #tpu.memory_space<vmem>>, %arg8: memref<4x2048xf32, #tpu.memory_space<vmem>>, %arg9: memref<384x128xf32, #tpu.memory_space<vmem>>, %arg10: memref<1024xf32, #tpu.memory_space<vmem>>, %arg11: memref<!tpu.dma_semaphore, #tpu.memory_space<semaphore_mem>>, %arg12: memref<!tpu.dma_semaphore, #tpu.memory_space<semaphore_mem>>, %arg13: memref<!tpu.dma_semaphore, #tpu.memory_space<semaphore_mem>>) attributes {dimension_semantics = [#tpu.dimension_semantics<core_parallel>, #tpu.dimension_semantics<subcore_parallel>], iteration_bounds = array<i64: 2, 16>, scalar_prefetch = 0 : i64, scratch_operands = 8 : i64, tpu.core_type = #tpu.core_type<sc_vector_subcore>, window_params = [{transform_indices = #map}, {transform_indices = #map1}, {transform_indices = #map2}, {transform_indices = #map}]} {
    %mul3A = arith.constant 2 : i32
    %mul3A_0 = arith.muli %arg1, %mul3A : i32
    %add3A = arith.addi %mul3A_0, %arg0 : i32
    %mul3A_1 = arith.constant 4 : i32
    %mul3A_2 = arith.muli %add3A, %mul3A_1 : i32
    "tpu.region"() ({
      %run_scoped3A_123 = tpu.sem_alloc : memref<!tpu.dma_semaphore, #tpu.memory_space<semaphore_mem>>
      tpu.enqueue_dma source(%arg4 : memref<2048xf32, #tpu.memory_space<hbm>>) target(%arg6 : memref<2048xf32, #tpu.memory_space<vmem>>) target_semaphore(%run_scoped3A_123 : memref<!tpu.dma_semaphore, #tpu.memory_space<semaphore_mem>>)
      tpu.wait_dma2 semaphore(%run_scoped3A_123 : memref<!tpu.dma_semaphore, #tpu.memory_space<semaphore_mem>>) src(%arg4 : memref<2048xf32, #tpu.memory_space<hbm>>) dst(%arg6 : memref<2048xf32, #tpu.memory_space<vmem>>)
      tpu.yield
    }) : () -> ()
    "tpu.region"() ({
      %run_scoped3A_123 = tpu.sem_alloc : memref<!tpu.dma_semaphore, #tpu.memory_space<semaphore_mem>>
      %dma_start3A_124 = arith.constant 0 : i32
      %dma_start3A_125 = tpu.memref_slice %arg3[%mul3A_2, %dma_start3A_124] : memref<128x2048xf32, #tpu.memory_space<hbm>> -> memref<4x2048xf32, #tpu.memory_space<hbm>>
      %dma_start3A_126 = arith.constant 0 : i32
      %dma_start3A_127 = tpu.memref_slice %arg3[%mul3A_2, %dma_start3A_126] : memref<128x2048xf32, #tpu.memory_space<hbm>> -> memref<4x2048xf32, #tpu.memory_space<hbm>>
      tpu.enqueue_dma source(%dma_start3A_127 : memref<4x2048xf32, #tpu.memory_space<hbm>>) target(%arg8 : memref<4x2048xf32, #tpu.memory_space<vmem>>) target_semaphore(%run_scoped3A_123 : memref<!tpu.dma_semaphore, #tpu.memory_space<semaphore_mem>>)
      %dma_wait3A = arith.constant 0 : i32
      %dma_wait3A_128 = tpu.memref_slice %arg3[%mul3A_2, %dma_wait3A] : memref<128x2048xf32, #tpu.memory_space<hbm>> -> memref<4x2048xf32, #tpu.memory_space<hbm>>
      %dma_wait3A_129 = arith.constant 0 : i32
      %dma_wait3A_130 = tpu.memref_slice %arg3[%mul3A_2, %dma_wait3A_129] : memref<128x2048xf32, #tpu.memory_space<hbm>> -> memref<4x2048xf32, #tpu.memory_space<hbm>>
      tpu.wait_dma2 semaphore(%run_scoped3A_123 : memref<!tpu.dma_semaphore, #tpu.memory_space<semaphore_mem>>) src(%dma_wait3A_130 : memref<4x2048xf32, #tpu.memory_space<hbm>>) dst(%arg8 : memref<4x2048xf32, #tpu.memory_space<vmem>>)
      tpu.yield
    }) : () -> ()
    %div3A = arith.constant 0 : i32
    %div3A_3 = arith.constant 3 : i32
    %div3A_4 = arith.divsi %div3A, %div3A_3 : i32
    %rem3A = arith.constant 0 : i32
    %rem3A_5 = arith.constant 3 : i32
    %rem3A_6 = arith.remsi %rem3A, %rem3A_5 : i32
    %div3A_7 = arith.constant 2 : i32
    %div3A_8 = arith.divsi %div3A_4, %div3A_7 : i32
    %rem3A_9 = arith.constant 2 : i32
    %rem3A_10 = arith.remsi %div3A_4, %rem3A_9 : i32
    %add3A_11 = arith.addi %mul3A_2, %div3A_8 : i32
    %mul3A_12 = arith.constant 1024 : i32
    %mul3A_13 = arith.muli %rem3A_10, %mul3A_12 : i32
    %mul3A_14 = arith.constant 128 : i32
    %mul3A_15 = arith.muli %rem3A_6, %mul3A_14 : i32
    %add3A_16 = arith.addi %mul3A_13, %mul3A_15 : i32
    %dma_start3A = arith.constant 0 : i32
    %dma_start3A_17 = arith.constant 0 : i32
    %dma_start3A_18 = tpu.memref_slice %arg9[%dma_start3A, %dma_start3A_17] : memref<384x128xf32, #tpu.memory_space<vmem>> -> memref<128x128xf32, #tpu.memory_space<vmem>>
    %dma_start3A_19 = arith.constant 0 : i32
    %dma_start3A_20 = tpu.memref_slice %arg2[%add3A_11, %add3A_16, %dma_start3A_19] : memref<128x2048x128xf32, #tpu.memory_space<hbm>> -> memref<1x128x128xf32, #tpu.memory_space<hbm>>
    %dma_start3A_21 = tpu.memref_squeeze %dma_start3A_20 : memref<1x128x128xf32, #tpu.memory_space<hbm>> -> memref<128x128xf32, #tpu.memory_space<hbm>>
    %dma_start3A_22 = arith.constant 0 : i32
    %dma_start3A_23 = arith.constant 0 : i32
    %dma_start3A_24 = tpu.memref_slice %arg9[%dma_start3A_22, %dma_start3A_23] : memref<384x128xf32, #tpu.memory_space<vmem>> -> memref<128x128xf32, #tpu.memory_space<vmem>>
    %dma_start3A_25 = arith.constant 0 : i32
    %dma_start3A_26 = tpu.memref_slice %arg2[%add3A_11, %add3A_16, %dma_start3A_25] : memref<128x2048x128xf32, #tpu.memory_space<hbm>> -> memref<1x128x128xf32, #tpu.memory_space<hbm>>
    %dma_start3A_27 = tpu.memref_squeeze %dma_start3A_26 : memref<1x128x128xf32, #tpu.memory_space<hbm>> -> memref<128x128xf32, #tpu.memory_space<hbm>>
    tpu.enqueue_dma source(%dma_start3A_27 : memref<128x128xf32, #tpu.memory_space<hbm>>) target(%dma_start3A_24 : memref<128x128xf32, #tpu.memory_space<vmem>>) target_semaphore(%arg11 : memref<!tpu.dma_semaphore, #tpu.memory_space<semaphore_mem>>)
    %div3A_28 = arith.constant 1 : i32
    %div3A_29 = arith.constant 3 : i32
    %div3A_30 = arith.divsi %div3A_28, %div3A_29 : i32
    %rem3A_31 = arith.constant 1 : i32
    %rem3A_32 = arith.constant 3 : i32
    %rem3A_33 = arith.remsi %rem3A_31, %rem3A_32 : i32
    %div3A_34 = arith.constant 2 : i32
    %div3A_35 = arith.divsi %div3A_30, %div3A_34 : i32
    %rem3A_36 = arith.constant 2 : i32
    %rem3A_37 = arith.remsi %div3A_30, %rem3A_36 : i32
    %add3A_38 = arith.addi %mul3A_2, %div3A_35 : i32
    %mul3A_39 = arith.constant 1024 : i32
    %mul3A_40 = arith.muli %rem3A_37, %mul3A_39 : i32
    %mul3A_41 = arith.constant 128 : i32
    %mul3A_42 = arith.muli %rem3A_33, %mul3A_41 : i32
    %add3A_43 = arith.addi %mul3A_40, %mul3A_42 : i32
    %dma_start3A_44 = arith.constant 128 : i32
    %dma_start3A_45 = arith.constant 0 : i32
    %dma_start3A_46 = tpu.memref_slice %arg9[%dma_start3A_44, %dma_start3A_45] : memref<384x128xf32, #tpu.memory_space<vmem>> -> memref<128x128xf32, #tpu.memory_space<vmem>>
    %dma_start3A_47 = arith.constant 0 : i32
    %dma_start3A_48 = tpu.memref_slice %arg2[%add3A_38, %add3A_43, %dma_start3A_47] : memref<128x2048x128xf32, #tpu.memory_space<hbm>> -> memref<1x128x128xf32, #tpu.memory_space<hbm>>
    %dma_start3A_49 = tpu.memref_squeeze %dma_start3A_48 : memref<1x128x128xf32, #tpu.memory_space<hbm>> -> memref<128x128xf32, #tpu.memory_space<hbm>>
    %dma_start3A_50 = arith.constant 128 : i32
    %dma_start3A_51 = arith.constant 0 : i32
    %dma_start3A_52 = tpu.memref_slice %arg9[%dma_start3A_50, %dma_start3A_51] : memref<384x128xf32, #tpu.memory_space<vmem>> -> memref<128x128xf32, #tpu.memory_space<vmem>>
    %dma_start3A_53 = arith.constant 0 : i32
    %dma_start3A_54 = tpu.memref_slice %arg2[%add3A_38, %add3A_43, %dma_start3A_53] : memref<128x2048x128xf32, #tpu.memory_space<hbm>> -> memref<1x128x128xf32, #tpu.memory_space<hbm>>
    %dma_start3A_55 = tpu.memref_squeeze %dma_start3A_54 : memref<1x128x128xf32, #tpu.memory_space<hbm>> -> memref<128x128xf32, #tpu.memory_space<hbm>>
    tpu.enqueue_dma source(%dma_start3A_55 : memref<128x128xf32, #tpu.memory_space<hbm>>) target(%dma_start3A_52 : memref<128x128xf32, #tpu.memory_space<vmem>>) target_semaphore(%arg12 : memref<!tpu.dma_semaphore, #tpu.memory_space<semaphore_mem>>)
    %scan3A = arith.constant 0 : i32
    %scan3A_56 = arith.constant 0 : i32
    %scan3A_57 = arith.constant 512 : i32
    %scan3A_58 = arith.addi %scan3A_56, %scan3A_57 : i32
    %scan3A_59 = arith.constant 1 : i32
    %scan3A_60 = scf.for %scan3A_123 = %scan3A_56 to %scan3A_58 step %scan3A_59 iter_args(%scan3A_124 = %scan3A) -> (i32)  : i32 {
      %div3A_125 = arith.constant 128 : i32
      %div3A_126 = arith.divsi %scan3A_123, %div3A_125 : i32
      %rem3A_127 = arith.constant 128 : i32
      %rem3A_128 = arith.remsi %scan3A_123, %rem3A_127 : i32
      %mul3A_129 = arith.constant 16 : i32
      %mul3A_130 = arith.muli %rem3A_128, %mul3A_129 : i32
      %get3A = arith.index_cast %div3A_126 : i32 to index
      %get3A_131 = arith.index_cast %mul3A_130 : i32 to index
      %get3A_132 = tpu.vector_load %arg8[%get3A, %get3A_131] {strides = array<i32>} : memref<4x2048xf32, #tpu.memory_space<vmem>>, vector<1x16xf32>,
      %get3A_133 = vector.shape_cast %get3A_132 : vector<1x16xf32> to vector<16xf32>
      %get3A_134 = arith.index_cast %mul3A_130 : i32 to index
      %get3A_135 = tpu.vector_load %arg6[%get3A_134] {strides = array<i32>} : memref<2048xf32, #tpu.memory_space<vmem>>, vector<16xf32>,
      %get3A_136 = vector.shape_cast %get3A_135 : vector<16xf32> to vector<16xf32>
      %mul3A_137 = arith.mulf %get3A_133, %get3A_136 : vector<16xf32>
      %swap3A_138 = arith.index_cast %div3A_126 : i32 to index
      %swap3A_139 = arith.index_cast %mul3A_130 : i32 to index
      %swap3A_140 = tpu.vector_load %arg7[%swap3A_138, %swap3A_139] {strides = array<i32>} : memref<4x2048xf32, #tpu.memory_space<vmem>>, vector<1x16xf32>,
      %swap3A_141 = vector.shape_cast %swap3A_140 : vector<1x16xf32> to vector<16xf32>
      %swap3A_142 = vector.shape_cast %mul3A_137 : vector<16xf32> to vector<1x16xf32>
      tpu.vector_store %arg7[%swap3A_138, %swap3A_139], %swap3A_142 {strides = array<i32>} : memref<4x2048xf32, #tpu.memory_space<vmem>>, vector<1x16xf32>,
      %scan3A_143 = arith.constant 0 : i32
      scf.yield %scan3A_143 : i32
    }
    %scan3A_61 = arith.constant 512 : i32
    %broadcast_in_dim3A = arith.constant 0.000000e+00 : f32
    %broadcast_in_dim3A_62 = vector.broadcast %broadcast_in_dim3A : f32 to vector<16xf32>
    %scan3A_63 = arith.constant 0 : i32
    %scan3A_64 = arith.constant 192 : i32
    %scan3A_65 = arith.addi %scan3A_63, %scan3A_64 : i32
    %scan3A_66 = arith.constant 1 : i32
    %scan3A_67:8 = scf.for %scan3A_123 = %scan3A_63 to %scan3A_65 step %scan3A_66 iter_args(%scan3A_124 = %broadcast_in_dim3A_62, %scan3A_125 = %broadcast_in_dim3A_62, %scan3A_126 = %broadcast_in_dim3A_62, %scan3A_127 = %broadcast_in_dim3A_62, %scan3A_128 = %broadcast_in_dim3A_62, %scan3A_129 = %broadcast_in_dim3A_62, %scan3A_130 = %broadcast_in_dim3A_62, %scan3A_131 = %broadcast_in_dim3A_62) -> (vector<16xf32>, vector<16xf32>, vector<16xf32>, vector<16xf32>, vector<16xf32>, vector<16xf32>, vector<16xf32>, vector<16xf32>)  : i32 {
      %div3A_132 = arith.constant 8 : i32
      %div3A_133 = arith.divsi %scan3A_123, %div3A_132 : i32
      %rem3A_134 = arith.constant 8 : i32
      %rem3A_135 = arith.remsi %scan3A_123, %rem3A_134 : i32
      %eq3A = arith.constant 0 : i32
      %eq3A_136 = arith.cmpi eq, %rem3A_135, %eq3A : i32
      %rem3A_137 = arith.constant 3 : i32
      %rem3A_138 = arith.remsi %div3A_133, %rem3A_137 : i32
      %eq3A_139 = arith.constant 0 : i32
      %eq3A_140 = arith.cmpi eq, %rem3A_138, %eq3A_139 : i32
      %and3A = arith.andi %eq3A_136, %eq3A_140 : i1
      %convert_element_type3A = arith.extui %and3A : i1 to i32
      %cond3A = arith.constant 0 : i32
      %cond3A_141 = arith.cmpi ne, %convert_element_type3A, %cond3A : i32
      scf.if %cond3A_141 {
        %add3A_1302 = arith.constant 2 : i32
        %add3A_1303 = arith.addi %div3A_133, %add3A_1302 : i32
        %lt3A = arith.constant 24 : i32
        %lt3A_1304 = arith.cmpi slt, %add3A_1303, %lt3A : i32
        %convert_element_type3A_1305 = arith.extui %lt3A_1304 : i1 to i32
        %cond3A_1306 = arith.constant 0 : i32
        %cond3A_1307 = arith.cmpi ne, %convert_element_type3A_1305, %cond3A_1306 : i32
        scf.if %cond3A_1307 {
          %add3A_1322 = arith.constant 2 : i32
          %add3A_1323 = arith.addi %div3A_133, %add3A_1322 : i32
          %div3A_1324 = arith.constant 3 : i32
          %div3A_1325 = arith.divsi %add3A_1323, %div3A_1324 : i32
          %rem3A_1326 = arith.constant 3 : i32
          %rem3A_1327 = arith.remsi %add3A_1323, %rem3A_1326 : i32
          %div3A_1328 = arith.constant 2 : i32
          %div3A_1329 = arith.divsi %div3A_1325, %div3A_1328 : i32
          %rem3A_1330 = arith.constant 2 : i32
          %rem3A_1331 = arith.remsi %div3A_1325, %rem3A_1330 : i32
          %add3A_1332 = arith.addi %mul3A_2, %div3A_1329 : i32
          %mul3A_1333 = arith.constant 1024 : i32
          %mul3A_1334 = arith.muli %rem3A_1331, %mul3A_1333 : i32
          %mul3A_1335 = arith.constant 128 : i32
          %mul3A_1336 = arith.muli %rem3A_1327, %mul3A_1335 : i32
          %add3A_1337 = arith.addi %mul3A_1334, %mul3A_1336 : i32
          %dma_start3A_1338 = arith.constant 256 : i32
          %dma_start3A_1339 = arith.constant 0 : i32
          %dma_start3A_1340 = tpu.memref_slice %arg9[%dma_start3A_1338, %dma_start3A_1339] : memref<384x128xf32, #tpu.memory_space<vmem>> -> memref<128x128xf32, #tpu.memory_space<vmem>>
          %dma_start3A_1341 = arith.constant 0 : i32
          %dma_start3A_1342 = tpu.memref_slice %arg2[%add3A_1332, %add3A_1337, %dma_start3A_1341] : memref<128x2048x128xf32, #tpu.memory_space<hbm>> -> memref<1x128x128xf32, #tpu.memory_space<hbm>>
          %dma_start3A_1343 = tpu.memref_squeeze %dma_start3A_1342 : memref<1x128x128xf32, #tpu.memory_space<hbm>> -> memref<128x128xf32, #tpu.memory_space<hbm>>
          %dma_start3A_1344 = arith.constant 256 : i32
          %dma_start3A_1345 = arith.constant 0 : i32
          %dma_start3A_1346 = tpu.memref_slice %arg9[%dma_start3A_1344, %dma_start3A_1345] : memref<384x128xf32, #tpu.memory_space<vmem>> -> memref<128x128xf32, #tpu.memory_space<vmem>>
          %dma_start3A_1347 = arith.constant 0 : i32
          %dma_start3A_1348 = tpu.memref_slice %arg2[%add3A_1332, %add3A_1337, %dma_start3A_1347] : memref<128x2048x128xf32, #tpu.memory_space<hbm>> -> memref<1x128x128xf32, #tpu.memory_space<hbm>>
          %dma_start3A_1349 = tpu.memref_squeeze %dma_start3A_1348 : memref<1x128x128xf32, #tpu.memory_space<hbm>> -> memref<128x128xf32, #tpu.memory_space<hbm>>
          tpu.enqueue_dma source(%dma_start3A_1349 : memref<128x128xf32, #tpu.memory_space<hbm>>) target(%dma_start3A_1346 : memref<128x128xf32, #tpu.memory_space<vmem>>) target_semaphore(%arg13 : memref<!tpu.dma_semaphore, #tpu.memory_space<semaphore_mem>>)
        } else {
        }
        %dma_wait3A = arith.constant 0 : i32
        %dma_wait3A_1308 = arith.constant 0 : i32
        %dma_wait3A_1309 = arith.constant 0 : i32
        %dma_wait3A_1310 = tpu.memref_slice %arg9[%dma_wait3A_1308, %dma_wait3A_1309] : memref<384x128xf32, #tpu.memory_space<vmem>> -> memref<128x128xf32, #tpu.memory_space<vmem>>
        %dma_wait3A_1311 = arith.constant 0 : i32
        %dma_wait3A_1312 = arith.constant 0 : i32
        %dma_wait3A_1313 = tpu.memref_slice %arg2[%dma_wait3A, %dma_wait3A_1311, %dma_wait3A_1312] : memref<128x2048x128xf32, #tpu.memory_space<hbm>> -> memref<1x128x128xf32, #tpu.memory_space<hbm>>
        %dma_wait3A_1314 = tpu.memref_squeeze %dma_wait3A_1313 : memref<1x128x128xf32, #tpu.memory_space<hbm>> -> memref<128x128xf32, #tpu.memory_space<hbm>>
        %dma_wait3A_1315 = arith.constant 0 : i32
        %dma_wait3A_1316 = arith.constant 0 : i32
        %dma_wait3A_1317 = tpu.memref_slice %arg9[%dma_wait3A_1315, %dma_wait3A_1316] : memref<384x128xf32, #tpu.memory_space<vmem>> -> memref<128x128xf32, #tpu.memory_space<vmem>>
        %dma_wait3A_1318 = arith.constant 0 : i32
        %dma_wait3A_1319 = arith.constant 0 : i32
        %dma_wait3A_1320 = tpu.memref_slice %arg2[%dma_wait3A, %dma_wait3A_1318, %dma_wait3A_1319] : memref<128x2048x128xf32, #tpu.memory_space<hbm>> -> memref<1x128x128xf32, #tpu.memory_space<hbm>>
        %dma_wait3A_1321 = tpu.memref_squeeze %dma_wait3A_1320 : memref<1x128x128xf32, #tpu.memory_space<hbm>> -> memref<128x128xf32, #tpu.memory_space<hbm>>
        tpu.wait_dma2 semaphore(%arg11 : memref<!tpu.dma_semaphore, #tpu.memory_space<semaphore_mem>>) src(%dma_wait3A_1321 : memref<128x128xf32, #tpu.memory_space<hbm>>) dst(%dma_wait3A_1317 : memref<128x128xf32, #tpu.memory_space<vmem>>)
      } else {
      }
      %rem3A_142 = arith.constant 3 : i32
      %rem3A_143 = arith.remsi %div3A_133, %rem3A_142 : i32
      %eq3A_144 = arith.constant 1 : i32
      %eq3A_145 = arith.cmpi eq, %rem3A_143, %eq3A_144 : i32
      %and3A_146 = arith.andi %eq3A_136, %eq3A_145 : i1
      %convert_element_type3A_147 = arith.extui %and3A_146 : i1 to i32
      %cond3A_148 = arith.constant 0 : i32
      %cond3A_149 = arith.cmpi ne, %convert_element_type3A_147, %cond3A_148 : i32
      scf.if %cond3A_149 {
        %add3A_1302 = arith.constant 2 : i32
        %add3A_1303 = arith.addi %div3A_133, %add3A_1302 : i32
        %lt3A = arith.constant 24 : i32
        %lt3A_1304 = arith.cmpi slt, %add3A_1303, %lt3A : i32
        %convert_element_type3A_1305 = arith.extui %lt3A_1304 : i1 to i32
        %cond3A_1306 = arith.constant 0 : i32
        %cond3A_1307 = arith.cmpi ne, %convert_element_type3A_1305, %cond3A_1306 : i32
        scf.if %cond3A_1307 {
          %add3A_1322 = arith.constant 2 : i32
          %add3A_1323 = arith.addi %div3A_133, %add3A_1322 : i32
          %div3A_1324 = arith.constant 3 : i32
          %div3A_1325 = arith.divsi %add3A_1323, %div3A_1324 : i32
          %rem3A_1326 = arith.constant 3 : i32
          %rem3A_1327 = arith.remsi %add3A_1323, %rem3A_1326 : i32
          %div3A_1328 = arith.constant 2 : i32
          %div3A_1329 = arith.divsi %div3A_1325, %div3A_1328 : i32
          %rem3A_1330 = arith.constant 2 : i32
          %rem3A_1331 = arith.remsi %div3A_1325, %rem3A_1330 : i32
          %add3A_1332 = arith.addi %mul3A_2, %div3A_1329 : i32
          %mul3A_1333 = arith.constant 1024 : i32
          %mul3A_1334 = arith.muli %rem3A_1331, %mul3A_1333 : i32
          %mul3A_1335 = arith.constant 128 : i32
          %mul3A_1336 = arith.muli %rem3A_1327, %mul3A_1335 : i32
          %add3A_1337 = arith.addi %mul3A_1334, %mul3A_1336 : i32
          %dma_start3A_1338 = arith.constant 0 : i32
          %dma_start3A_1339 = arith.constant 0 : i32
          %dma_start3A_1340 = tpu.memref_slice %arg9[%dma_start3A_1338, %dma_start3A_1339] : memref<384x128xf32, #tpu.memory_space<vmem>> -> memref<128x128xf32, #tpu.memory_space<vmem>>
          %dma_start3A_1341 = arith.constant 0 : i32
          %dma_start3A_1342 = tpu.memref_slice %arg2[%add3A_1332, %add3A_1337, %dma_start3A_1341] : memref<128x2048x128xf32, #tpu.memory_space<hbm>> -> memref<1x128x128xf32, #tpu.memory_space<hbm>>
          %dma_start3A_1343 = tpu.memref_squeeze %dma_start3A_1342 : memref<1x128x128xf32, #tpu.memory_space<hbm>> -> memref<128x128xf32, #tpu.memory_space<hbm>>
          %dma_start3A_1344 = arith.constant 0 : i32
          %dma_start3A_1345 = arith.constant 0 : i32
          %dma_start3A_1346 = tpu.memref_slice %arg9[%dma_start3A_1344, %dma_start3A_1345] : memref<384x128xf32, #tpu.memory_space<vmem>> -> memref<128x128xf32, #tpu.memory_space<vmem>>
          %dma_start3A_1347 = arith.constant 0 : i32
          %dma_start3A_1348 = tpu.memref_slice %arg2[%add3A_1332, %add3A_1337, %dma_start3A_1347] : memref<128x2048x128xf32, #tpu.memory_space<hbm>> -> memref<1x128x128xf32, #tpu.memory_space<hbm>>
          %dma_start3A_1349 = tpu.memref_squeeze %dma_start3A_1348 : memref<1x128x128xf32, #tpu.memory_space<hbm>> -> memref<128x128xf32, #tpu.memory_space<hbm>>
          tpu.enqueue_dma source(%dma_start3A_1349 : memref<128x128xf32, #tpu.memory_space<hbm>>) target(%dma_start3A_1346 : memref<128x128xf32, #tpu.memory_space<vmem>>) target_semaphore(%arg11 : memref<!tpu.dma_semaphore, #tpu.memory_space<semaphore_mem>>)
        } else {
        }
        %dma_wait3A = arith.constant 0 : i32
        %dma_wait3A_1308 = arith.constant 128 : i32
        %dma_wait3A_1309 = arith.constant 0 : i32
        %dma_wait3A_1310 = tpu.memref_slice %arg9[%dma_wait3A_1308, %dma_wait3A_1309] : memref<384x128xf32, #tpu.memory_space<vmem>> -> memref<128x128xf32, #tpu.memory_space<vmem>>
        %dma_wait3A_1311 = arith.constant 0 : i32
        %dma_wait3A_1312 = arith.constant 0 : i32
        %dma_wait3A_1313 = tpu.memref_slice %arg2[%dma_wait3A, %dma_wait3A_1311, %dma_wait3A_1312] : memref<128x2048x128xf32, #tpu.memory_space<hbm>> -> memref<1x128x128xf32, #tpu.memory_space<hbm>>
        %dma_wait3A_1314 = tpu.memref_squeeze %dma_wait3A_1313 : memref<1x128x128xf32, #tpu.memory_space<hbm>> -> memref<128x128xf32, #tpu.memory_space<hbm>>
        %dma_wait3A_1315 = arith.constant 128 : i32
        %dma_wait3A_1316 = arith.constant 0 : i32
        %dma_wait3A_1317 = tpu.memref_slice %arg9[%dma_wait3A_1315, %dma_wait3A_1316] : memref<384x128xf32, #tpu.memory_space<vmem>> -> memref<128x128xf32, #tpu.memory_space<vmem>>
        %dma_wait3A_1318 = arith.constant 0 : i32
        %dma_wait3A_1319 = arith.constant 0 : i32
        %dma_wait3A_1320 = tpu.memref_slice %arg2[%dma_wait3A, %dma_wait3A_1318, %dma_wait3A_1319] : memref<128x2048x128xf32, #tpu.memory_space<hbm>> -> memref<1x128x128xf32, #tpu.memory_space<hbm>>
        %dma_wait3A_1321 = tpu.memref_squeeze %dma_wait3A_1320 : memref<1x128x128xf32, #tpu.memory_space<hbm>> -> memref<128x128xf32, #tpu.memory_space<hbm>>
        tpu.wait_dma2 semaphore(%arg12 : memref<!tpu.dma_semaphore, #tpu.memory_space<semaphore_mem>>) src(%dma_wait3A_1321 : memref<128x128xf32, #tpu.memory_space<hbm>>) dst(%dma_wait3A_1317 : memref<128x128xf32, #tpu.memory_space<vmem>>)
      } else {
      }
      %rem3A_150 = arith.constant 3 : i32
      %rem3A_151 = arith.remsi %div3A_133, %rem3A_150 : i32
      %eq3A_152 = arith.constant 2 : i32
      %eq3A_153 = arith.cmpi eq, %rem3A_151, %eq3A_152 : i32
      %and3A_154 = arith.andi %eq3A_136, %eq3A_153 : i1
      %convert_element_type3A_155 = arith.extui %and3A_154 : i1 to i32
      %cond3A_156 = arith.constant 0 : i32
      %cond3A_157 = arith.cmpi ne, %convert_element_type3A_155, %cond3A_156 : i32
      scf.if %cond3A_157 {
        %add3A_1302 = arith.constant 2 : i32
        %add3A_1303 = arith.addi %div3A_133, %add3A_1302 : i32
        %lt3A = arith.constant 24 : i32
        %lt3A_1304 = arith.cmpi slt, %add3A_1303, %lt3A : i32
        %convert_element_type3A_1305 = arith.extui %lt3A_1304 : i1 to i32
        %cond3A_1306 = arith.constant 0 : i32
        %cond3A_1307 = arith.cmpi ne, %convert_element_type3A_1305, %cond3A_1306 : i32
        scf.if %cond3A_1307 {
          %add3A_1322 = arith.constant 2 : i32
          %add3A_1323 = arith.addi %div3A_133, %add3A_1322 : i32
          %div3A_1324 = arith.constant 3 : i32
          %div3A_1325 = arith.divsi %add3A_1323, %div3A_1324 : i32
          %rem3A_1326 = arith.constant 3 : i32
          %rem3A_1327 = arith.remsi %add3A_1323, %rem3A_1326 : i32
          %div3A_1328 = arith.constant 2 : i32
          %div3A_1329 = arith.divsi %div3A_1325, %div3A_1328 : i32
          %rem3A_1330 = arith.constant 2 : i32
          %rem3A_1331 = arith.remsi %div3A_1325, %rem3A_1330 : i32
          %add3A_1332 = arith.addi %mul3A_2, %div3A_1329 : i32
          %mul3A_1333 = arith.constant 1024 : i32
          %mul3A_1334 = arith.muli %rem3A_1331, %mul3A_1333 : i32
          %mul3A_1335 = arith.constant 128 : i32
          %mul3A_1336 = arith.muli %rem3A_1327, %mul3A_1335 : i32
          %add3A_1337 = arith.addi %mul3A_1334, %mul3A_1336 : i32
          %dma_start3A_1338 = arith.constant 128 : i32
          %dma_start3A_1339 = arith.constant 0 : i32
          %dma_start3A_1340 = tpu.memref_slice %arg9[%dma_start3A_1338, %dma_start3A_1339] : memref<384x128xf32, #tpu.memory_space<vmem>> -> memref<128x128xf32, #tpu.memory_space<vmem>>
          %dma_start3A_1341 = arith.constant 0 : i32
          %dma_start3A_1342 = tpu.memref_slice %arg2[%add3A_1332, %add3A_1337, %dma_start3A_1341] : memref<128x2048x128xf32, #tpu.memory_space<hbm>> -> memref<1x128x128xf32, #tpu.memory_space<hbm>>
          %dma_start3A_1343 = tpu.memref_squeeze %dma_start3A_1342 : memref<1x128x128xf32, #tpu.memory_space<hbm>> -> memref<128x128xf32, #tpu.memory_space<hbm>>
          %dma_start3A_1344 = arith.constant 128 : i32
          %dma_start3A_1345 = arith.constant 0 : i32
          %dma_start3A_1346 = tpu.memref_slice %arg9[%dma_start3A_1344, %dma_start3A_1345] : memref<384x128xf32, #tpu.memory_space<vmem>> -> memref<128x128xf32, #tpu.memory_space<vmem>>
          %dma_start3A_1347 = arith.constant 0 : i32
          %dma_start3A_1348 = tpu.memref_slice %arg2[%add3A_1332, %add3A_1337, %dma_start3A_1347] : memref<128x2048x128xf32, #tpu.memory_space<hbm>> -> memref<1x128x128xf32, #tpu.memory_space<hbm>>
          %dma_start3A_1349 = tpu.memref_squeeze %dma_start3A_1348 : memref<1x128x128xf32, #tpu.memory_space<hbm>> -> memref<128x128xf32, #tpu.memory_space<hbm>>
          tpu.enqueue_dma source(%dma_start3A_1349 : memref<128x128xf32, #tpu.memory_space<hbm>>) target(%dma_start3A_1346 : memref<128x128xf32, #tpu.memory_space<vmem>>) target_semaphore(%arg12 : memref<!tpu.dma_semaphore, #tpu.memory_space<semaphore_mem>>)
        } else {
        }
        %dma_wait3A = arith.constant 0 : i32
        %dma_wait3A_1308 = arith.constant 256 : i32
        %dma_wait3A_1309 = arith.constant 0 : i32
        %dma_wait3A_1310 = tpu.memref_slice %arg9[%dma_wait3A_1308, %dma_wait3A_1309] : memref<384x128xf32, #tpu.memory_space<vmem>> -> memref<128x128xf32, #tpu.memory_space<vmem>>
        %dma_wait3A_1311 = arith.constant 0 : i32
        %dma_wait3A_1312 = arith.constant 0 : i32
        %dma_wait3A_1313 = tpu.memref_slice %arg2[%dma_wait3A, %dma_wait3A_1311, %dma_wait3A_1312] : memref<128x2048x128xf32, #tpu.memory_space<hbm>> -> memref<1x128x128xf32, #tpu.memory_space<hbm>>
        %dma_wait3A_1314 = tpu.memref_squeeze %dma_wait3A_1313 : memref<1x128x128xf32, #tpu.memory_space<hbm>> -> memref<128x128xf32, #tpu.memory_space<hbm>>
        %dma_wait3A_1315 = arith.constant 256 : i32
        %dma_wait3A_1316 = arith.constant 0 : i32
        %dma_wait3A_1317 = tpu.memref_slice %arg9[%dma_wait3A_1315, %dma_wait3A_1316] : memref<384x128xf32, #tpu.memory_space<vmem>> -> memref<128x128xf32, #tpu.memory_space<vmem>>
        %dma_wait3A_1318 = arith.constant 0 : i32
        %dma_wait3A_1319 = arith.constant 0 : i32
        %dma_wait3A_1320 = tpu.memref_slice %arg2[%dma_wait3A, %dma_wait3A_1318, %dma_wait3A_1319] : memref<128x2048x128xf32, #tpu.memory_space<hbm>> -> memref<1x128x128xf32, #tpu.memory_space<hbm>>
        %dma_wait3A_1321 = tpu.memref_squeeze %dma_wait3A_1320 : memref<1x128x128xf32, #tpu.memory_space<hbm>> -> memref<128x128xf32, #tpu.memory_space<hbm>>
        tpu.wait_dma2 semaphore(%arg13 : memref<!tpu.dma_semaphore, #tpu.memory_space<semaphore_mem>>) src(%dma_wait3A_1321 : memref<128x128xf32, #tpu.memory_space<hbm>>) dst(%dma_wait3A_1317 : memref<128x128xf32, #tpu.memory_space<vmem>>)
      } else {
      }
      %div3A_158 = arith.constant 24 : i32
      %div3A_159 = arith.divsi %scan3A_123, %div3A_158 : i32
      %rem3A_160 = arith.constant 24 : i32
      %rem3A_161 = arith.remsi %scan3A_123, %rem3A_160 : i32
      %eq3A_162 = arith.constant 0 : i32
      %eq3A_163 = arith.cmpi eq, %rem3A_161, %eq3A_162 : i32
      %gt3A = arith.constant 0 : i32
      %gt3A_164 = arith.cmpi sgt, %scan3A_123, %gt3A : i32
      %and3A_165 = arith.andi %eq3A_163, %gt3A_164 : i1
      %convert_element_type3A_166 = arith.extui %and3A_165 : i1 to i32
      %cond3A_167 = arith.constant 0 : i32
      %cond3A_168 = arith.cmpi ne, %convert_element_type3A_166, %cond3A_167 : i32
      scf.if %cond3A_168 {
        %sub3A = arith.constant 1 : i32
        %sub3A_1302 = arith.subi %div3A_159, %sub3A : i32
        %mul3A_1303 = arith.constant 128 : i32
        %mul3A_1304 = arith.muli %sub3A_1302, %mul3A_1303 : i32
        %add3A_1305 = arith.constant 0 : i32
        %add3A_1306 = arith.addi %mul3A_1304, %add3A_1305 : i32
        %swap3A_1307 = arith.index_cast %add3A_1306 : i32 to index
        %swap3A_1308 = tpu.vector_load %arg10[%swap3A_1307] {strides = array<i32>} : memref<1024xf32, #tpu.memory_space<vmem>>, vector<16xf32>,
        %swap3A_1309 = vector.shape_cast %swap3A_1308 : vector<16xf32> to vector<16xf32>
        %swap3A_1310 = vector.shape_cast %scan3A_124 : vector<16xf32> to vector<16xf32>
        tpu.vector_store %arg10[%swap3A_1307], %swap3A_1310 {strides = array<i32>} : memref<1024xf32, #tpu.memory_space<vmem>>, vector<16xf32>,
        %mul3A_1311 = arith.constant 128 : i32
        %mul3A_1312 = arith.muli %sub3A_1302, %mul3A_1311 : i32
        %add3A_1313 = arith.constant 16 : i32
        %add3A_1314 = arith.addi %mul3A_1312, %add3A_1313 : i32
        %swap3A_1315 = arith.index_cast %add3A_1314 : i32 to index
        %swap3A_1316 = tpu.vector_load %arg10[%swap3A_1315] {strides = array<i32>} : memref<1024xf32, #tpu.memory_space<vmem>>, vector<16xf32>,
        %swap3A_1317 = vector.shape_cast %swap3A_1316 : vector<16xf32> to vector<16xf32>
        %swap3A_1318 = vector.shape_cast %scan3A_125 : vector<16xf32> to vector<16xf32>
        tpu.vector_store %arg10[%swap3A_1315], %swap3A_1318 {strides = array<i32>} : memref<1024xf32, #tpu.memory_space<vmem>>, vector<16xf32>,
        %mul3A_1319 = arith.constant 128 : i32
        %mul3A_1320 = arith.muli %sub3A_1302, %mul3A_1319 : i32
        %add3A_1321 = arith.constant 32 : i32
        %add3A_1322 = arith.addi %mul3A_1320, %add3A_1321 : i32
        %swap3A_1323 = arith.index_cast %add3A_1322 : i32 to index
        %swap3A_1324 = tpu.vector_load %arg10[%swap3A_1323] {strides = array<i32>} : memref<1024xf32, #tpu.memory_space<vmem>>, vector<16xf32>,
        %swap3A_1325 = vector.shape_cast %swap3A_1324 : vector<16xf32> to vector<16xf32>
        %swap3A_1326 = vector.shape_cast %scan3A_126 : vector<16xf32> to vector<16xf32>
        tpu.vector_store %arg10[%swap3A_1323], %swap3A_1326 {strides = array<i32>} : memref<1024xf32, #tpu.memory_space<vmem>>, vector<16xf32>,
        %mul3A_1327 = arith.constant 128 : i32
        %mul3A_1328 = arith.muli %sub3A_1302, %mul3A_1327 : i32
        %add3A_1329 = arith.constant 48 : i32
        %add3A_1330 = arith.addi %mul3A_1328, %add3A_1329 : i32
        %swap3A_1331 = arith.index_cast %add3A_1330 : i32 to index
        %swap3A_1332 = tpu.vector_load %arg10[%swap3A_1331] {strides = array<i32>} : memref<1024xf32, #tpu.memory_space<vmem>>, vector<16xf32>,
        %swap3A_1333 = vector.shape_cast %swap3A_1332 : vector<16xf32> to vector<16xf32>
        %swap3A_1334 = vector.shape_cast %scan3A_127 : vector<16xf32> to vector<16xf32>
        tpu.vector_store %arg10[%swap3A_1331], %swap3A_1334 {strides = array<i32>} : memref<1024xf32, #tpu.memory_space<vmem>>, vector<16xf32>,
        %mul3A_1335 = arith.constant 128 : i32
        %mul3A_1336 = arith.muli %sub3A_1302, %mul3A_1335 : i32
        %add3A_1337 = arith.constant 64 : i32
        %add3A_1338 = arith.addi %mul3A_1336, %add3A_1337 : i32
        %swap3A_1339 = arith.index_cast %add3A_1338 : i32 to index
        %swap3A_1340 = tpu.vector_load %arg10[%swap3A_1339] {strides = array<i32>} : memref<1024xf32, #tpu.memory_space<vmem>>, vector<16xf32>,
        %swap3A_1341 = vector.shape_cast %swap3A_1340 : vector<16xf32> to vector<16xf32>
        %swap3A_1342 = vector.shape_cast %scan3A_128 : vector<16xf32> to vector<16xf32>
        tpu.vector_store %arg10[%swap3A_1339], %swap3A_1342 {strides = array<i32>} : memref<1024xf32, #tpu.memory_space<vmem>>, vector<16xf32>,
        %mul3A_1343 = arith.constant 128 : i32
        %mul3A_1344 = arith.muli %sub3A_1302, %mul3A_1343 : i32
        %add3A_1345 = arith.constant 80 : i32
        %add3A_1346 = arith.addi %mul3A_1344, %add3A_1345 : i32
        %swap3A_1347 = arith.index_cast %add3A_1346 : i32 to index
        %swap3A_1348 = tpu.vector_load %arg10[%swap3A_1347] {strides = array<i32>} : memref<1024xf32, #tpu.memory_space<vmem>>, vector<16xf32>,
        %swap3A_1349 = vector.shape_cast %swap3A_1348 : vector<16xf32> to vector<16xf32>
        %swap3A_1350 = vector.shape_cast %scan3A_129 : vector<16xf32> to vector<16xf32>
        tpu.vector_store %arg10[%swap3A_1347], %swap3A_1350 {strides = array<i32>} : memref<1024xf32, #tpu.memory_space<vmem>>, vector<16xf32>,
        %mul3A_1351 = arith.constant 128 : i32
        %mul3A_1352 = arith.muli %sub3A_1302, %mul3A_1351 : i32
        %add3A_1353 = arith.constant 96 : i32
        %add3A_1354 = arith.addi %mul3A_1352, %add3A_1353 : i32
        %swap3A_1355 = arith.index_cast %add3A_1354 : i32 to index
        %swap3A_1356 = tpu.vector_load %arg10[%swap3A_1355] {strides = array<i32>} : memref<1024xf32, #tpu.memory_space<vmem>>, vector<16xf32>,
        %swap3A_1357 = vector.shape_cast %swap3A_1356 : vector<16xf32> to vector<16xf32>
        %swap3A_1358 = vector.shape_cast %scan3A_130 : vector<16xf32> to vector<16xf32>
        tpu.vector_store %arg10[%swap3A_1355], %swap3A_1358 {strides = array<i32>} : memref<1024xf32, #tpu.memory_space<vmem>>, vector<16xf32>,
        %mul3A_1359 = arith.constant 128 : i32
        %mul3A_1360 = arith.muli %sub3A_1302, %mul3A_1359 : i32
        %add3A_1361 = arith.constant 112 : i32
        %add3A_1362 = arith.addi %mul3A_1360, %add3A_1361 : i32
        %swap3A_1363 = arith.index_cast %add3A_1362 : i32 to index
        %swap3A_1364 = tpu.vector_load %arg10[%swap3A_1363] {strides = array<i32>} : memref<1024xf32, #tpu.memory_space<vmem>>, vector<16xf32>,
        %swap3A_1365 = vector.shape_cast %swap3A_1364 : vector<16xf32> to vector<16xf32>
        %swap3A_1366 = vector.shape_cast %scan3A_131 : vector<16xf32> to vector<16xf32>
        tpu.vector_store %arg10[%swap3A_1363], %swap3A_1366 {strides = array<i32>} : memref<1024xf32, #tpu.memory_space<vmem>>, vector<16xf32>,
      } else {
      }
      %broadcast_in_dim3A_169 = arith.constant 0.000000e+00 : f32
      %broadcast_in_dim3A_170 = vector.broadcast %broadcast_in_dim3A_169 : f32 to vector<16xf32>
      %select_n3A = arith.select %eq3A_163, %broadcast_in_dim3A_170, %scan3A_124 : vector<16xf32>
      %select_n3A_171 = arith.select %eq3A_163, %broadcast_in_dim3A_170, %scan3A_125 : vector<16xf32>
      %select_n3A_172 = arith.select %eq3A_163, %broadcast_in_dim3A_170, %scan3A_126 : vector<16xf32>
      %select_n3A_173 = arith.select %eq3A_163, %broadcast_in_dim3A_170, %scan3A_127 : vector<16xf32>
      %select_n3A_174 = arith.select %eq3A_163, %broadcast_in_dim3A_170, %scan3A_128 : vector<16xf32>
      %select_n3A_175 = arith.select %eq3A_163, %broadcast_in_dim3A_170, %scan3A_129 : vector<16xf32>
      %select_n3A_176 = arith.select %eq3A_163, %broadcast_in_dim3A_170, %scan3A_130 : vector<16xf32>
      %select_n3A_177 = arith.select %eq3A_163, %broadcast_in_dim3A_170, %scan3A_131 : vector<16xf32>
      %div3A_178 = arith.constant 2 : i32
      %div3A_179 = arith.divsi %div3A_159, %div3A_178 : i32
      %rem3A_180 = arith.constant 2 : i32
      %rem3A_181 = arith.remsi %div3A_159, %rem3A_180 : i32
      %mul3A_182 = arith.constant 1024 : i32
      %mul3A_183 = arith.muli %rem3A_181, %mul3A_182 : i32
      %mul3A_184 = arith.constant 16 : i32
      %mul3A_185 = arith.muli %rem3A_161, %mul3A_184 : i32
      %add3A_186 = arith.addi %mul3A_183, %mul3A_185 : i32
      %get3A = arith.index_cast %div3A_179 : i32 to index
      %get3A_187 = arith.index_cast %add3A_186 : i32 to index
      %get3A_188 = tpu.vector_load %arg7[%get3A, %get3A_187] {strides = array<i32>} : memref<4x2048xf32, #tpu.memory_space<vmem>>, vector<1x16xf32>,
      %get3A_189 = vector.shape_cast %get3A_188 : vector<1x16xf32> to vector<16xf32>
      %rem3A_190 = arith.constant 3 : i32
      %rem3A_191 = arith.remsi %div3A_133, %rem3A_190 : i32
      %mul3A_192 = arith.constant 128 : i32
      %mul3A_193 = arith.muli %rem3A_191, %mul3A_192 : i32
      %rem3A_194 = arith.constant 8 : i32
      %rem3A_195 = arith.remsi %scan3A_123, %rem3A_194 : i32
      %mul3A_196 = arith.constant 16 : i32
      %mul3A_197 = arith.muli %rem3A_195, %mul3A_196 : i32
      %add3A_198 = arith.addi %mul3A_193, %mul3A_197 : i32
      %broadcast_in_dim3A_199 = arith.constant 0 : i32
      %broadcast_in_dim3A_200 = vector.broadcast %broadcast_in_dim3A_199 : i32 to vector<16xi32>
      %broadcast_in_dim3A_201 = vector.shape_cast %broadcast_in_dim3A_200 : vector<16xi32> to vector<16x1xi32>
      %gather3A = vector.shape_cast %broadcast_in_dim3A_201 : vector<16x1xi32> to vector<16xi32>
      %gather3A_202 = tpu.dynamic_gather %get3A_189[%gather3A] in [0] : vector<16xf32>, vector<16xi32> -> vector<16xf32>
      %add3A_203 = arith.constant 0 : i32
      %add3A_204 = arith.addi %add3A_198, %add3A_203 : i32
      %get3A_205 = arith.index_cast %add3A_204 : i32 to index
      %get3A_206 = arith.constant 0 : index
      %get3A_207 = tpu.vector_load %arg9[%get3A_205, %get3A_206] {strides = array<i32>} : memref<384x128xf32, #tpu.memory_space<vmem>>, vector<1x16xf32>,
      %get3A_208 = vector.shape_cast %get3A_207 : vector<1x16xf32> to vector<16xf32>
      %mul3A_209 = arith.mulf %gather3A_202, %get3A_208 : vector<16xf32>
      %add3A_210 = arith.addf %select_n3A, %mul3A_209 : vector<16xf32>
      %add3A_211 = arith.constant 0 : i32
      %add3A_212 = arith.addi %add3A_198, %add3A_211 : i32
      %get3A_213 = arith.index_cast %add3A_212 : i32 to index
      %get3A_214 = arith.constant 16 : index
      %get3A_215 = tpu.vector_load %arg9[%get3A_213, %get3A_214] {strides = array<i32>} : memref<384x128xf32, #tpu.memory_space<vmem>>, vector<1x16xf32>,
      %get3A_216 = vector.shape_cast %get3A_215 : vector<1x16xf32> to vector<16xf32>
      %mul3A_217 = arith.mulf %gather3A_202, %get3A_216 : vector<16xf32>
      %add3A_218 = arith.addf %select_n3A_171, %mul3A_217 : vector<16xf32>
      %add3A_219 = arith.constant 0 : i32
      %add3A_220 = arith.addi %add3A_198, %add3A_219 : i32
      %get3A_221 = arith.index_cast %add3A_220 : i32 to index
      %get3A_222 = arith.constant 32 : index
      %get3A_223 = tpu.vector_load %arg9[%get3A_221, %get3A_222] {strides = array<i32>} : memref<384x128xf32, #tpu.memory_space<vmem>>, vector<1x16xf32>,
      %get3A_224 = vector.shape_cast %get3A_223 : vector<1x16xf32> to vector<16xf32>
      %mul3A_225 = arith.mulf %gather3A_202, %get3A_224 : vector<16xf32>
      %add3A_226 = arith.addf %select_n3A_172, %mul3A_225 : vector<16xf32>
      %add3A_227 = arith.constant 0 : i32
      %add3A_228 = arith.addi %add3A_198, %add3A_227 : i32
      %get3A_229 = arith.index_cast %add3A_228 : i32 to index
      %get3A_230 = arith.constant 48 : index
      %get3A_231 = tpu.vector_load %arg9[%get3A_229, %get3A_230] {strides = array<i32>} : memref<384x128xf32, #tpu.memory_space<vmem>>, vector<1x16xf32>,
      %get3A_232 = vector.shape_cast %get3A_231 : vector<1x16xf32> to vector<16xf32>
      %mul3A_233 = arith.mulf %gather3A_202, %get3A_232 : vector<16xf32>
      %add3A_234 = arith.addf %select_n3A_173, %mul3A_233 : vector<16xf32>
      %add3A_235 = arith.constant 0 : i32
      %add3A_236 = arith.addi %add3A_198, %add3A_235 : i32
      %get3A_237 = arith.index_cast %add3A_236 : i32 to index
      %get3A_238 = arith.constant 64 : index
      %get3A_239 = tpu.vector_load %arg9[%get3A_237, %get3A_238] {strides = array<i32>} : memref<384x128xf32, #tpu.memory_space<vmem>>, vector<1x16xf32>,
      %get3A_240 = vector.shape_cast %get3A_239 : vector<1x16xf32> to vector<16xf32>
      %mul3A_241 = arith.mulf %gather3A_202, %get3A_240 : vector<16xf32>
      %add3A_242 = arith.addf %select_n3A_174, %mul3A_241 : vector<16xf32>
      %add3A_243 = arith.constant 0 : i32
      %add3A_244 = arith.addi %add3A_198, %add3A_243 : i32
      %get3A_245 = arith.index_cast %add3A_244 : i32 to index
      %get3A_246 = arith.constant 80 : index
      %get3A_247 = tpu.vector_load %arg9[%get3A_245, %get3A_246] {strides = array<i32>} : memref<384x128xf32, #tpu.memory_space<vmem>>, vector<1x16xf32>,
      %get3A_248 = vector.shape_cast %get3A_247 : vector<1x16xf32> to vector<16xf32>
      %mul3A_249 = arith.mulf %gather3A_202, %get3A_248 : vector<16xf32>
      %add3A_250 = arith.addf %select_n3A_175, %mul3A_249 : vector<16xf32>
      %add3A_251 = arith.constant 0 : i32
      %add3A_252 = arith.addi %add3A_198, %add3A_251 : i32
      %get3A_253 = arith.index_cast %add3A_252 : i32 to index
      %get3A_254 = arith.constant 96 : index
      %get3A_255 = tpu.vector_load %arg9[%get3A_253, %get3A_254] {strides = array<i32>} : memref<384x128xf32, #tpu.memory_space<vmem>>, vector<1x16xf32>,
      %get3A_256 = vector.shape_cast %get3A_255 : vector<1x16xf32> to vector<16xf32>
      %mul3A_257 = arith.mulf %gather3A_202, %get3A_256 : vector<16xf32>
      %add3A_258 = arith.addf %select_n3A_176, %mul3A_257 : vector<16xf32>
      %add3A_259 = arith.constant 0 : i32
      %add3A_260 = arith.addi %add3A_198, %add3A_259 : i32
      %get3A_261 = arith.index_cast %add3A_260 : i32 to index
      %get3A_262 = arith.constant 112 : index
      %get3A_263 = tpu.vector_load %arg9[%get3A_261, %get3A_262] {strides = array<i32>} : memref<384x128xf32, #tpu.memory_space<vmem>>, vector<1x16xf32>,
      %get3A_264 = vector.shape_cast %get3A_263 : vector<1x16xf32> to vector<16xf32>
      %mul3A_265 = arith.mulf %gather3A_202, %get3A_264 : vector<16xf32>
      %add3A_266 = arith.addf %select_n3A_177, %mul3A_265 : vector<16xf32>
      %broadcast_in_dim3A_267 = arith.constant 1 : i32
      %broadcast_in_dim3A_268 = vector.broadcast %broadcast_in_dim3A_267 : i32 to vector<16xi32>
      %broadcast_in_dim3A_269 = vector.shape_cast %broadcast_in_dim3A_268 : vector<16xi32> to vector<16x1xi32>
      %gather3A_270 = vector.shape_cast %broadcast_in_dim3A_269 : vector<16x1xi32> to vector<16xi32>
      %gather3A_271 = tpu.dynamic_gather %get3A_189[%gather3A_270] in [0] : vector<16xf32>, vector<16xi32> -> vector<16xf32>
      %add3A_272 = arith.constant 1 : i32
      %add3A_273 = arith.addi %add3A_198, %add3A_272 : i32
      %get3A_274 = arith.index_cast %add3A_273 : i32 to index
      %get3A_275 = arith.constant 0 : index
      %get3A_276 = tpu.vector_load %arg9[%get3A_274, %get3A_275] {strides = array<i32>} : memref<384x128xf32, #tpu.memory_space<vmem>>, vector<1x16xf32>,
      %get3A_277 = vector.shape_cast %get3A_276 : vector<1x16xf32> to vector<16xf32>
      %mul3A_278 = arith.mulf %gather3A_271, %get3A_277 : vector<16xf32>
      %add3A_279 = arith.addf %add3A_210, %mul3A_278 : vector<16xf32>
      %add3A_280 = arith.constant 1 : i32
      %add3A_281 = arith.addi %add3A_198, %add3A_280 : i32
      %get3A_282 = arith.index_cast %add3A_281 : i32 to index
      %get3A_283 = arith.constant 16 : index
      %get3A_284 = tpu.vector_load %arg9[%get3A_282, %get3A_283] {strides = array<i32>} : memref<384x128xf32, #tpu.memory_space<vmem>>, vector<1x16xf32>,
      %get3A_285 = vector.shape_cast %get3A_284 : vector<1x16xf32> to vector<16xf32>
      %mul3A_286 = arith.mulf %gather3A_271, %get3A_285 : vector<16xf32>
      %add3A_287 = arith.addf %add3A_218, %mul3A_286 : vector<16xf32>
      %add3A_288 = arith.constant 1 : i32
      %add3A_289 = arith.addi %add3A_198, %add3A_288 : i32
      %get3A_290 = arith.index_cast %add3A_289 : i32 to index
      %get3A_291 = arith.constant 32 : index
      %get3A_292 = tpu.vector_load %arg9[%get3A_290, %get3A_291] {strides = array<i32>} : memref<384x128xf32, #tpu.memory_space<vmem>>, vector<1x16xf32>,
      %get3A_293 = vector.shape_cast %get3A_292 : vector<1x16xf32> to vector<16xf32>
      %mul3A_294 = arith.mulf %gather3A_271, %get3A_293 : vector<16xf32>
      %add3A_295 = arith.addf %add3A_226, %mul3A_294 : vector<16xf32>
      %add3A_296 = arith.constant 1 : i32
      %add3A_297 = arith.addi %add3A_198, %add3A_296 : i32
      %get3A_298 = arith.index_cast %add3A_297 : i32 to index
      %get3A_299 = arith.constant 48 : index
      %get3A_300 = tpu.vector_load %arg9[%get3A_298, %get3A_299] {strides = array<i32>} : memref<384x128xf32, #tpu.memory_space<vmem>>, vector<1x16xf32>,
      %get3A_301 = vector.shape_cast %get3A_300 : vector<1x16xf32> to vector<16xf32>
      %mul3A_302 = arith.mulf %gather3A_271, %get3A_301 : vector<16xf32>
      %add3A_303 = arith.addf %add3A_234, %mul3A_302 : vector<16xf32>
      %add3A_304 = arith.constant 1 : i32
      %add3A_305 = arith.addi %add3A_198, %add3A_304 : i32
      %get3A_306 = arith.index_cast %add3A_305 : i32 to index
      %get3A_307 = arith.constant 64 : index
      %get3A_308 = tpu.vector_load %arg9[%get3A_306, %get3A_307] {strides = array<i32>} : memref<384x128xf32, #tpu.memory_space<vmem>>, vector<1x16xf32>,
      %get3A_309 = vector.shape_cast %get3A_308 : vector<1x16xf32> to vector<16xf32>
      %mul3A_310 = arith.mulf %gather3A_271, %get3A_309 : vector<16xf32>
      %add3A_311 = arith.addf %add3A_242, %mul3A_310 : vector<16xf32>
      %add3A_312 = arith.constant 1 : i32
      %add3A_313 = arith.addi %add3A_198, %add3A_312 : i32
      %get3A_314 = arith.index_cast %add3A_313 : i32 to index
      %get3A_315 = arith.constant 80 : index
      %get3A_316 = tpu.vector_load %arg9[%get3A_314, %get3A_315] {strides = array<i32>} : memref<384x128xf32, #tpu.memory_space<vmem>>, vector<1x16xf32>,
      %get3A_317 = vector.shape_cast %get3A_316 : vector<1x16xf32> to vector<16xf32>
      %mul3A_318 = arith.mulf %gather3A_271, %get3A_317 : vector<16xf32>
      %add3A_319 = arith.addf %add3A_250, %mul3A_318 : vector<16xf32>
      %add3A_320 = arith.constant 1 : i32
      %add3A_321 = arith.addi %add3A_198, %add3A_320 : i32
      %get3A_322 = arith.index_cast %add3A_321 : i32 to index
      %get3A_323 = arith.constant 96 : index
      %get3A_324 = tpu.vector_load %arg9[%get3A_322, %get3A_323] {strides = array<i32>} : memref<384x128xf32, #tpu.memory_space<vmem>>, vector<1x16xf32>,
      %get3A_325 = vector.shape_cast %get3A_324 : vector<1x16xf32> to vector<16xf32>
      %mul3A_326 = arith.mulf %gather3A_271, %get3A_325 : vector<16xf32>
      %add3A_327 = arith.addf %add3A_258, %mul3A_326 : vector<16xf32>
      %add3A_328 = arith.constant 1 : i32
      %add3A_329 = arith.addi %add3A_198, %add3A_328 : i32
      %get3A_330 = arith.index_cast %add3A_329 : i32 to index
      %get3A_331 = arith.constant 112 : index
      %get3A_332 = tpu.vector_load %arg9[%get3A_330, %get3A_331] {strides = array<i32>} : memref<384x128xf32, #tpu.memory_space<vmem>>, vector<1x16xf32>,
      %get3A_333 = vector.shape_cast %get3A_332 : vector<1x16xf32> to vector<16xf32>
      %mul3A_334 = arith.mulf %gather3A_271, %get3A_333 : vector<16xf32>
      %add3A_335 = arith.addf %add3A_266, %mul3A_334 : vector<16xf32>
      %broadcast_in_dim3A_336 = arith.constant 2 : i32
      %broadcast_in_dim3A_337 = vector.broadcast %broadcast_in_dim3A_336 : i32 to vector<16xi32>
      %broadcast_in_dim3A_338 = vector.shape_cast %broadcast_in_dim3A_337 : vector<16xi32> to vector<16x1xi32>
      %gather3A_339 = vector.shape_cast %broadcast_in_dim3A_338 : vector<16x1xi32> to vector<16xi32>
      %gather3A_340 = tpu.dynamic_gather %get3A_189[%gather3A_339] in [0] : vector<16xf32>, vector<16xi32> -> vector<16xf32>
      %add3A_341 = arith.constant 2 : i32
      %add3A_342 = arith.addi %add3A_198, %add3A_341 : i32
      %get3A_343 = arith.index_cast %add3A_342 : i32 to index
      %get3A_344 = arith.constant 0 : index
      %get3A_345 = tpu.vector_load %arg9[%get3A_343, %get3A_344] {strides = array<i32>} : memref<384x128xf32, #tpu.memory_space<vmem>>, vector<1x16xf32>,
      %get3A_346 = vector.shape_cast %get3A_345 : vector<1x16xf32> to vector<16xf32>
      %mul3A_347 = arith.mulf %gather3A_340, %get3A_346 : vector<16xf32>
      %add3A_348 = arith.addf %add3A_279, %mul3A_347 : vector<16xf32>
      %add3A_349 = arith.constant 2 : i32
      %add3A_350 = arith.addi %add3A_198, %add3A_349 : i32
      %get3A_351 = arith.index_cast %add3A_350 : i32 to index
      %get3A_352 = arith.constant 16 : index
      %get3A_353 = tpu.vector_load %arg9[%get3A_351, %get3A_352] {strides = array<i32>} : memref<384x128xf32, #tpu.memory_space<vmem>>, vector<1x16xf32>,
      %get3A_354 = vector.shape_cast %get3A_353 : vector<1x16xf32> to vector<16xf32>
      %mul3A_355 = arith.mulf %gather3A_340, %get3A_354 : vector<16xf32>
      %add3A_356 = arith.addf %add3A_287, %mul3A_355 : vector<16xf32>
      %add3A_357 = arith.constant 2 : i32
      %add3A_358 = arith.addi %add3A_198, %add3A_357 : i32
      %get3A_359 = arith.index_cast %add3A_358 : i32 to index
      %get3A_360 = arith.constant 32 : index
      %get3A_361 = tpu.vector_load %arg9[%get3A_359, %get3A_360] {strides = array<i32>} : memref<384x128xf32, #tpu.memory_space<vmem>>, vector<1x16xf32>,
      %get3A_362 = vector.shape_cast %get3A_361 : vector<1x16xf32> to vector<16xf32>
      %mul3A_363 = arith.mulf %gather3A_340, %get3A_362 : vector<16xf32>
      %add3A_364 = arith.addf %add3A_295, %mul3A_363 : vector<16xf32>
      %add3A_365 = arith.constant 2 : i32
      %add3A_366 = arith.addi %add3A_198, %add3A_365 : i32
      %get3A_367 = arith.index_cast %add3A_366 : i32 to index
      %get3A_368 = arith.constant 48 : index
      %get3A_369 = tpu.vector_load %arg9[%get3A_367, %get3A_368] {strides = array<i32>} : memref<384x128xf32, #tpu.memory_space<vmem>>, vector<1x16xf32>,
      %get3A_370 = vector.shape_cast %get3A_369 : vector<1x16xf32> to vector<16xf32>
      %mul3A_371 = arith.mulf %gather3A_340, %get3A_370 : vector<16xf32>
      %add3A_372 = arith.addf %add3A_303, %mul3A_371 : vector<16xf32>
      %add3A_373 = arith.constant 2 : i32
      %add3A_374 = arith.addi %add3A_198, %add3A_373 : i32
      %get3A_375 = arith.index_cast %add3A_374 : i32 to index
      %get3A_376 = arith.constant 64 : index
      %get3A_377 = tpu.vector_load %arg9[%get3A_375, %get3A_376] {strides = array<i32>} : memref<384x128xf32, #tpu.memory_space<vmem>>, vector<1x16xf32>,
      %get3A_378 = vector.shape_cast %get3A_377 : vector<1x16xf32> to vector<16xf32>
      %mul3A_379 = arith.mulf %gather3A_340, %get3A_378 : vector<16xf32>
      %add3A_380 = arith.addf %add3A_311, %mul3A_379 : vector<16xf32>
      %add3A_381 = arith.constant 2 : i32
      %add3A_382 = arith.addi %add3A_198, %add3A_381 : i32
      %get3A_383 = arith.index_cast %add3A_382 : i32 to index
      %get3A_384 = arith.constant 80 : index
      %get3A_385 = tpu.vector_load %arg9[%get3A_383, %get3A_384] {strides = array<i32>} : memref<384x128xf32, #tpu.memory_space<vmem>>, vector<1x16xf32>,
      %get3A_386 = vector.shape_cast %get3A_385 : vector<1x16xf32> to vector<16xf32>
      %mul3A_387 = arith.mulf %gather3A_340, %get3A_386 : vector<16xf32>
      %add3A_388 = arith.addf %add3A_319, %mul3A_387 : vector<16xf32>
      %add3A_389 = arith.constant 2 : i32
      %add3A_390 = arith.addi %add3A_198, %add3A_389 : i32
      %get3A_391 = arith.index_cast %add3A_390 : i32 to index
      %get3A_392 = arith.constant 96 : index
      %get3A_393 = tpu.vector_load %arg9[%get3A_391, %get3A_392] {strides = array<i32>} : memref<384x128xf32, #tpu.memory_space<vmem>>, vector<1x16xf32>,
      %get3A_394 = vector.shape_cast %get3A_393 : vector<1x16xf32> to vector<16xf32>
      %mul3A_395 = arith.mulf %gather3A_340, %get3A_394 : vector<16xf32>
      %add3A_396 = arith.addf %add3A_327, %mul3A_395 : vector<16xf32>
      %add3A_397 = arith.constant 2 : i32
      %add3A_398 = arith.addi %add3A_198, %add3A_397 : i32
      %get3A_399 = arith.index_cast %add3A_398 : i32 to index
      %get3A_400 = arith.constant 112 : index
      %get3A_401 = tpu.vector_load %arg9[%get3A_399, %get3A_400] {strides = array<i32>} : memref<384x128xf32, #tpu.memory_space<vmem>>, vector<1x16xf32>,
      %get3A_402 = vector.shape_cast %get3A_401 : vector<1x16xf32> to vector<16xf32>
      %mul3A_403 = arith.mulf %gather3A_340, %get3A_402 : vector<16xf32>
      %add3A_404 = arith.addf %add3A_335, %mul3A_403 : vector<16xf32>
      %broadcast_in_dim3A_405 = arith.constant 3 : i32
      %broadcast_in_dim3A_406 = vector.broadcast %broadcast_in_dim3A_405 : i32 to vector<16xi32>
      %broadcast_in_dim3A_407 = vector.shape_cast %broadcast_in_dim3A_406 : vector<16xi32> to vector<16x1xi32>
      %gather3A_408 = vector.shape_cast %broadcast_in_dim3A_407 : vector<16x1xi32> to vector<16xi32>
      %gather3A_409 = tpu.dynamic_gather %get3A_189[%gather3A_408] in [0] : vector<16xf32>, vector<16xi32> -> vector<16xf32>
      %add3A_410 = arith.constant 3 : i32
      %add3A_411 = arith.addi %add3A_198, %add3A_410 : i32
      %get3A_412 = arith.index_cast %add3A_411 : i32 to index
      %get3A_413 = arith.constant 0 : index
      %get3A_414 = tpu.vector_load %arg9[%get3A_412, %get3A_413] {strides = array<i32>} : memref<384x128xf32, #tpu.memory_space<vmem>>, vector<1x16xf32>,
      %get3A_415 = vector.shape_cast %get3A_414 : vector<1x16xf32> to vector<16xf32>
      %mul3A_416 = arith.mulf %gather3A_409, %get3A_415 : vector<16xf32>
      %add3A_417 = arith.addf %add3A_348, %mul3A_416 : vector<16xf32>
      %add3A_418 = arith.constant 3 : i32
      %add3A_419 = arith.addi %add3A_198, %add3A_418 : i32
      %get3A_420 = arith.index_cast %add3A_419 : i32 to index
      %get3A_421 = arith.constant 16 : index
      %get3A_422 = tpu.vector_load %arg9[%get3A_420, %get3A_421] {strides = array<i32>} : memref<384x128xf32, #tpu.memory_space<vmem>>, vector<1x16xf32>,
      %get3A_423 = vector.shape_cast %get3A_422 : vector<1x16xf32> to vector<16xf32>
      %mul3A_424 = arith.mulf %gather3A_409, %get3A_423 : vector<16xf32>
      %add3A_425 = arith.addf %add3A_356, %mul3A_424 : vector<16xf32>
      %add3A_426 = arith.constant 3 : i32
      %add3A_427 = arith.addi %add3A_198, %add3A_426 : i32
      %get3A_428 = arith.index_cast %add3A_427 : i32 to index
      %get3A_429 = arith.constant 32 : index
      %get3A_430 = tpu.vector_load %arg9[%get3A_428, %get3A_429] {strides = array<i32>} : memref<384x128xf32, #tpu.memory_space<vmem>>, vector<1x16xf32>,
      %get3A_431 = vector.shape_cast %get3A_430 : vector<1x16xf32> to vector<16xf32>
      %mul3A_432 = arith.mulf %gather3A_409, %get3A_431 : vector<16xf32>
      %add3A_433 = arith.addf %add3A_364, %mul3A_432 : vector<16xf32>
      %add3A_434 = arith.constant 3 : i32
      %add3A_435 = arith.addi %add3A_198, %add3A_434 : i32
      %get3A_436 = arith.index_cast %add3A_435 : i32 to index
      %get3A_437 = arith.constant 48 : index
      %get3A_438 = tpu.vector_load %arg9[%get3A_436, %get3A_437] {strides = array<i32>} : memref<384x128xf32, #tpu.memory_space<vmem>>, vector<1x16xf32>,
      %get3A_439 = vector.shape_cast %get3A_438 : vector<1x16xf32> to vector<16xf32>
      %mul3A_440 = arith.mulf %gather3A_409, %get3A_439 : vector<16xf32>
      %add3A_441 = arith.addf %add3A_372, %mul3A_440 : vector<16xf32>
      %add3A_442 = arith.constant 3 : i32
      %add3A_443 = arith.addi %add3A_198, %add3A_442 : i32
      %get3A_444 = arith.index_cast %add3A_443 : i32 to index
      %get3A_445 = arith.constant 64 : index
      %get3A_446 = tpu.vector_load %arg9[%get3A_444, %get3A_445] {strides = array<i32>} : memref<384x128xf32, #tpu.memory_space<vmem>>, vector<1x16xf32>,
      %get3A_447 = vector.shape_cast %get3A_446 : vector<1x16xf32> to vector<16xf32>
      %mul3A_448 = arith.mulf %gather3A_409, %get3A_447 : vector<16xf32>
      %add3A_449 = arith.addf %add3A_380, %mul3A_448 : vector<16xf32>
      %add3A_450 = arith.constant 3 : i32
      %add3A_451 = arith.addi %add3A_198, %add3A_450 : i32
      %get3A_452 = arith.index_cast %add3A_451 : i32 to index
      %get3A_453 = arith.constant 80 : index
      %get3A_454 = tpu.vector_load %arg9[%get3A_452, %get3A_453] {strides = array<i32>} : memref<384x128xf32, #tpu.memory_space<vmem>>, vector<1x16xf32>,
      %get3A_455 = vector.shape_cast %get3A_454 : vector<1x16xf32> to vector<16xf32>
      %mul3A_456 = arith.mulf %gather3A_409, %get3A_455 : vector<16xf32>
      %add3A_457 = arith.addf %add3A_388, %mul3A_456 : vector<16xf32>
      %add3A_458 = arith.constant 3 : i32
      %add3A_459 = arith.addi %add3A_198, %add3A_458 : i32
      %get3A_460 = arith.index_cast %add3A_459 : i32 to index
      %get3A_461 = arith.constant 96 : index
      %get3A_462 = tpu.vector_load %arg9[%get3A_460, %get3A_461] {strides = array<i32>} : memref<384x128xf32, #tpu.memory_space<vmem>>, vector<1x16xf32>,
      %get3A_463 = vector.shape_cast %get3A_462 : vector<1x16xf32> to vector<16xf32>
      %mul3A_464 = arith.mulf %gather3A_409, %get3A_463 : vector<16xf32>
      %add3A_465 = arith.addf %add3A_396, %mul3A_464 : vector<16xf32>
      %add3A_466 = arith.constant 3 : i32
      %add3A_467 = arith.addi %add3A_198, %add3A_466 : i32
      %get3A_468 = arith.index_cast %add3A_467 : i32 to index
      %get3A_469 = arith.constant 112 : index
      %get3A_470 = tpu.vector_load %arg9[%get3A_468, %get3A_469] {strides = array<i32>} : memref<384x128xf32, #tpu.memory_space<vmem>>, vector<1x16xf32>,
      %get3A_471 = vector.shape_cast %get3A_470 : vector<1x16xf32> to vector<16xf32>
      %mul3A_472 = arith.mulf %gather3A_409, %get3A_471 : vector<16xf32>
      %add3A_473 = arith.addf %add3A_404, %mul3A_472 : vector<16xf32>
      %broadcast_in_dim3A_474 = arith.constant 4 : i32
      %broadcast_in_dim3A_475 = vector.broadcast %broadcast_in_dim3A_474 : i32 to vector<16xi32>
      %broadcast_in_dim3A_476 = vector.shape_cast %broadcast_in_dim3A_475 : vector<16xi32> to vector<16x1xi32>
      %gather3A_477 = vector.shape_cast %broadcast_in_dim3A_476 : vector<16x1xi32> to vector<16xi32>
      %gather3A_478 = tpu.dynamic_gather %get3A_189[%gather3A_477] in [0] : vector<16xf32>, vector<16xi32> -> vector<16xf32>
      %add3A_479 = arith.constant 4 : i32
      %add3A_480 = arith.addi %add3A_198, %add3A_479 : i32
      %get3A_481 = arith.index_cast %add3A_480 : i32 to index
      %get3A_482 = arith.constant 0 : index
      %get3A_483 = tpu.vector_load %arg9[%get3A_481, %get3A_482] {strides = array<i32>} : memref<384x128xf32, #tpu.memory_space<vmem>>, vector<1x16xf32>,
      %get3A_484 = vector.shape_cast %get3A_483 : vector<1x16xf32> to vector<16xf32>
      %mul3A_485 = arith.mulf %gather3A_478, %get3A_484 : vector<16xf32>
      %add3A_486 = arith.addf %add3A_417, %mul3A_485 : vector<16xf32>
      %add3A_487 = arith.constant 4 : i32
      %add3A_488 = arith.addi %add3A_198, %add3A_487 : i32
      %get3A_489 = arith.index_cast %add3A_488 : i32 to index
      %get3A_490 = arith.constant 16 : index
      %get3A_491 = tpu.vector_load %arg9[%get3A_489, %get3A_490] {strides = array<i32>} : memref<384x128xf32, #tpu.memory_space<vmem>>, vector<1x16xf32>,
      %get3A_492 = vector.shape_cast %get3A_491 : vector<1x16xf32> to vector<16xf32>
      %mul3A_493 = arith.mulf %gather3A_478, %get3A_492 : vector<16xf32>
      %add3A_494 = arith.addf %add3A_425, %mul3A_493 : vector<16xf32>
      %add3A_495 = arith.constant 4 : i32
      %add3A_496 = arith.addi %add3A_198, %add3A_495 : i32
      %get3A_497 = arith.index_cast %add3A_496 : i32 to index
      %get3A_498 = arith.constant 32 : index
      %get3A_499 = tpu.vector_load %arg9[%get3A_497, %get3A_498] {strides = array<i32>} : memref<384x128xf32, #tpu.memory_space<vmem>>, vector<1x16xf32>,
      %get3A_500 = vector.shape_cast %get3A_499 : vector<1x16xf32> to vector<16xf32>
      %mul3A_501 = arith.mulf %gather3A_478, %get3A_500 : vector<16xf32>
      %add3A_502 = arith.addf %add3A_433, %mul3A_501 : vector<16xf32>
      %add3A_503 = arith.constant 4 : i32
      %add3A_504 = arith.addi %add3A_198, %add3A_503 : i32
      %get3A_505 = arith.index_cast %add3A_504 : i32 to index
      %get3A_506 = arith.constant 48 : index
      %get3A_507 = tpu.vector_load %arg9[%get3A_505, %get3A_506] {strides = array<i32>} : memref<384x128xf32, #tpu.memory_space<vmem>>, vector<1x16xf32>,
      %get3A_508 = vector.shape_cast %get3A_507 : vector<1x16xf32> to vector<16xf32>
      %mul3A_509 = arith.mulf %gather3A_478, %get3A_508 : vector<16xf32>
      %add3A_510 = arith.addf %add3A_441, %mul3A_509 : vector<16xf32>
      %add3A_511 = arith.constant 4 : i32
      %add3A_512 = arith.addi %add3A_198, %add3A_511 : i32
      %get3A_513 = arith.index_cast %add3A_512 : i32 to index
      %get3A_514 = arith.constant 64 : index
      %get3A_515 = tpu.vector_load %arg9[%get3A_513, %get3A_514] {strides = array<i32>} : memref<384x128xf32, #tpu.memory_space<vmem>>, vector<1x16xf32>,
      %get3A_516 = vector.shape_cast %get3A_515 : vector<1x16xf32> to vector<16xf32>
      %mul3A_517 = arith.mulf %gather3A_478, %get3A_516 : vector<16xf32>
      %add3A_518 = arith.addf %add3A_449, %mul3A_517 : vector<16xf32>
      %add3A_519 = arith.constant 4 : i32
      %add3A_520 = arith.addi %add3A_198, %add3A_519 : i32
      %get3A_521 = arith.index_cast %add3A_520 : i32 to index
      %get3A_522 = arith.constant 80 : index
      %get3A_523 = tpu.vector_load %arg9[%get3A_521, %get3A_522] {strides = array<i32>} : memref<384x128xf32, #tpu.memory_space<vmem>>, vector<1x16xf32>,
      %get3A_524 = vector.shape_cast %get3A_523 : vector<1x16xf32> to vector<16xf32>
      %mul3A_525 = arith.mulf %gather3A_478, %get3A_524 : vector<16xf32>
      %add3A_526 = arith.addf %add3A_457, %mul3A_525 : vector<16xf32>
      %add3A_527 = arith.constant 4 : i32
      %add3A_528 = arith.addi %add3A_198, %add3A_527 : i32
      %get3A_529 = arith.index_cast %add3A_528 : i32 to index
      %get3A_530 = arith.constant 96 : index
      %get3A_531 = tpu.vector_load %arg9[%get3A_529, %get3A_530] {strides = array<i32>} : memref<384x128xf32, #tpu.memory_space<vmem>>, vector<1x16xf32>,
      %get3A_532 = vector.shape_cast %get3A_531 : vector<1x16xf32> to vector<16xf32>
      %mul3A_533 = arith.mulf %gather3A_478, %get3A_532 : vector<16xf32>
      %add3A_534 = arith.addf %add3A_465, %mul3A_533 : vector<16xf32>
      %add3A_535 = arith.constant 4 : i32
      %add3A_536 = arith.addi %add3A_198, %add3A_535 : i32
      %get3A_537 = arith.index_cast %add3A_536 : i32 to index
      %get3A_538 = arith.constant 112 : index
      %get3A_539 = tpu.vector_load %arg9[%get3A_537, %get3A_538] {strides = array<i32>} : memref<384x128xf32, #tpu.memory_space<vmem>>, vector<1x16xf32>,
      %get3A_540 = vector.shape_cast %get3A_539 : vector<1x16xf32> to vector<16xf32>
      %mul3A_541 = arith.mulf %gather3A_478, %get3A_540 : vector<16xf32>
      %add3A_542 = arith.addf %add3A_473, %mul3A_541 : vector<16xf32>
      %broadcast_in_dim3A_543 = arith.constant 5 : i32
      %broadcast_in_dim3A_544 = vector.broadcast %broadcast_in_dim3A_543 : i32 to vector<16xi32>
      %broadcast_in_dim3A_545 = vector.shape_cast %broadcast_in_dim3A_544 : vector<16xi32> to vector<16x1xi32>
      %gather3A_546 = vector.shape_cast %broadcast_in_dim3A_545 : vector<16x1xi32> to vector<16xi32>
      %gather3A_547 = tpu.dynamic_gather %get3A_189[%gather3A_546] in [0] : vector<16xf32>, vector<16xi32> -> vector<16xf32>
      %add3A_548 = arith.constant 5 : i32
      %add3A_549 = arith.addi %add3A_198, %add3A_548 : i32
      %get3A_550 = arith.index_cast %add3A_549 : i32 to index
      %get3A_551 = arith.constant 0 : index
      %get3A_552 = tpu.vector_load %arg9[%get3A_550, %get3A_551] {strides = array<i32>} : memref<384x128xf32, #tpu.memory_space<vmem>>, vector<1x16xf32>,
      %get3A_553 = vector.shape_cast %get3A_552 : vector<1x16xf32> to vector<16xf32>
      %mul3A_554 = arith.mulf %gather3A_547, %get3A_553 : vector<16xf32>
      %add3A_555 = arith.addf %add3A_486, %mul3A_554 : vector<16xf32>
      %add3A_556 = arith.constant 5 : i32
      %add3A_557 = arith.addi %add3A_198, %add3A_556 : i32
      %get3A_558 = arith.index_cast %add3A_557 : i32 to index
      %get3A_559 = arith.constant 16 : index
      %get3A_560 = tpu.vector_load %arg9[%get3A_558, %get3A_559] {strides = array<i32>} : memref<384x128xf32, #tpu.memory_space<vmem>>, vector<1x16xf32>,
      %get3A_561 = vector.shape_cast %get3A_560 : vector<1x16xf32> to vector<16xf32>
      %mul3A_562 = arith.mulf %gather3A_547, %get3A_561 : vector<16xf32>
      %add3A_563 = arith.addf %add3A_494, %mul3A_562 : vector<16xf32>
      %add3A_564 = arith.constant 5 : i32
      %add3A_565 = arith.addi %add3A_198, %add3A_564 : i32
      %get3A_566 = arith.index_cast %add3A_565 : i32 to index
      %get3A_567 = arith.constant 32 : index
      %get3A_568 = tpu.vector_load %arg9[%get3A_566, %get3A_567] {strides = array<i32>} : memref<384x128xf32, #tpu.memory_space<vmem>>, vector<1x16xf32>,
      %get3A_569 = vector.shape_cast %get3A_568 : vector<1x16xf32> to vector<16xf32>
      %mul3A_570 = arith.mulf %gather3A_547, %get3A_569 : vector<16xf32>
      %add3A_571 = arith.addf %add3A_502, %mul3A_570 : vector<16xf32>
      %add3A_572 = arith.constant 5 : i32
      %add3A_573 = arith.addi %add3A_198, %add3A_572 : i32
      %get3A_574 = arith.index_cast %add3A_573 : i32 to index
      %get3A_575 = arith.constant 48 : index
      %get3A_576 = tpu.vector_load %arg9[%get3A_574, %get3A_575] {strides = array<i32>} : memref<384x128xf32, #tpu.memory_space<vmem>>, vector<1x16xf32>,
      %get3A_577 = vector.shape_cast %get3A_576 : vector<1x16xf32> to vector<16xf32>
      %mul3A_578 = arith.mulf %gather3A_547, %get3A_577 : vector<16xf32>
      %add3A_579 = arith.addf %add3A_510, %mul3A_578 : vector<16xf32>
      %add3A_580 = arith.constant 5 : i32
      %add3A_581 = arith.addi %add3A_198, %add3A_580 : i32
      %get3A_582 = arith.index_cast %add3A_581 : i32 to index
      %get3A_583 = arith.constant 64 : index
      %get3A_584 = tpu.vector_load %arg9[%get3A_582, %get3A_583] {strides = array<i32>} : memref<384x128xf32, #tpu.memory_space<vmem>>, vector<1x16xf32>,
      %get3A_585 = vector.shape_cast %get3A_584 : vector<1x16xf32> to vector<16xf32>
      %mul3A_586 = arith.mulf %gather3A_547, %get3A_585 : vector<16xf32>
      %add3A_587 = arith.addf %add3A_518, %mul3A_586 : vector<16xf32>
      %add3A_588 = arith.constant 5 : i32
      %add3A_589 = arith.addi %add3A_198, %add3A_588 : i32
      %get3A_590 = arith.index_cast %add3A_589 : i32 to index
      %get3A_591 = arith.constant 80 : index
      %get3A_592 = tpu.vector_load %arg9[%get3A_590, %get3A_591] {strides = array<i32>} : memref<384x128xf32, #tpu.memory_space<vmem>>, vector<1x16xf32>,
      %get3A_593 = vector.shape_cast %get3A_592 : vector<1x16xf32> to vector<16xf32>
      %mul3A_594 = arith.mulf %gather3A_547, %get3A_593 : vector<16xf32>
      %add3A_595 = arith.addf %add3A_526, %mul3A_594 : vector<16xf32>
      %add3A_596 = arith.constant 5 : i32
      %add3A_597 = arith.addi %add3A_198, %add3A_596 : i32
      %get3A_598 = arith.index_cast %add3A_597 : i32 to index
      %get3A_599 = arith.constant 96 : index
      %get3A_600 = tpu.vector_load %arg9[%get3A_598, %get3A_599] {strides = array<i32>} : memref<384x128xf32, #tpu.memory_space<vmem>>, vector<1x16xf32>,
      %get3A_601 = vector.shape_cast %get3A_600 : vector<1x16xf32> to vector<16xf32>
      %mul3A_602 = arith.mulf %gather3A_547, %get3A_601 : vector<16xf32>
      %add3A_603 = arith.addf %add3A_534, %mul3A_602 : vector<16xf32>
      %add3A_604 = arith.constant 5 : i32
      %add3A_605 = arith.addi %add3A_198, %add3A_604 : i32
      %get3A_606 = arith.index_cast %add3A_605 : i32 to index
      %get3A_607 = arith.constant 112 : index
      %get3A_608 = tpu.vector_load %arg9[%get3A_606, %get3A_607] {strides = array<i32>} : memref<384x128xf32, #tpu.memory_space<vmem>>, vector<1x16xf32>,
      %get3A_609 = vector.shape_cast %get3A_608 : vector<1x16xf32> to vector<16xf32>
      %mul3A_610 = arith.mulf %gather3A_547, %get3A_609 : vector<16xf32>
      %add3A_611 = arith.addf %add3A_542, %mul3A_610 : vector<16xf32>
      %broadcast_in_dim3A_612 = arith.constant 6 : i32
      %broadcast_in_dim3A_613 = vector.broadcast %broadcast_in_dim3A_612 : i32 to vector<16xi32>
      %broadcast_in_dim3A_614 = vector.shape_cast %broadcast_in_dim3A_613 : vector<16xi32> to vector<16x1xi32>
      %gather3A_615 = vector.shape_cast %broadcast_in_dim3A_614 : vector<16x1xi32> to vector<16xi32>
      %gather3A_616 = tpu.dynamic_gather %get3A_189[%gather3A_615] in [0] : vector<16xf32>, vector<16xi32> -> vector<16xf32>
      %add3A_617 = arith.constant 6 : i32
      %add3A_618 = arith.addi %add3A_198, %add3A_617 : i32
      %get3A_619 = arith.index_cast %add3A_618 : i32 to index
      %get3A_620 = arith.constant 0 : index
      %get3A_621 = tpu.vector_load %arg9[%get3A_619, %get3A_620] {strides = array<i32>} : memref<384x128xf32, #tpu.memory_space<vmem>>, vector<1x16xf32>,
      %get3A_622 = vector.shape_cast %get3A_621 : vector<1x16xf32> to vector<16xf32>
      %mul3A_623 = arith.mulf %gather3A_616, %get3A_622 : vector<16xf32>
      %add3A_624 = arith.addf %add3A_555, %mul3A_623 : vector<16xf32>
      %add3A_625 = arith.constant 6 : i32
      %add3A_626 = arith.addi %add3A_198, %add3A_625 : i32
      %get3A_627 = arith.index_cast %add3A_626 : i32 to index
      %get3A_628 = arith.constant 16 : index
      %get3A_629 = tpu.vector_load %arg9[%get3A_627, %get3A_628] {strides = array<i32>} : memref<384x128xf32, #tpu.memory_space<vmem>>, vector<1x16xf32>,
      %get3A_630 = vector.shape_cast %get3A_629 : vector<1x16xf32> to vector<16xf32>
      %mul3A_631 = arith.mulf %gather3A_616, %get3A_630 : vector<16xf32>
      %add3A_632 = arith.addf %add3A_563, %mul3A_631 : vector<16xf32>
      %add3A_633 = arith.constant 6 : i32
      %add3A_634 = arith.addi %add3A_198, %add3A_633 : i32
      %get3A_635 = arith.index_cast %add3A_634 : i32 to index
      %get3A_636 = arith.constant 32 : index
      %get3A_637 = tpu.vector_load %arg9[%get3A_635, %get3A_636] {strides = array<i32>} : memref<384x128xf32, #tpu.memory_space<vmem>>, vector<1x16xf32>,
      %get3A_638 = vector.shape_cast %get3A_637 : vector<1x16xf32> to vector<16xf32>
      %mul3A_639 = arith.mulf %gather3A_616, %get3A_638 : vector<16xf32>
      %add3A_640 = arith.addf %add3A_571, %mul3A_639 : vector<16xf32>
      %add3A_641 = arith.constant 6 : i32
      %add3A_642 = arith.addi %add3A_198, %add3A_641 : i32
      %get3A_643 = arith.index_cast %add3A_642 : i32 to index
      %get3A_644 = arith.constant 48 : index
      %get3A_645 = tpu.vector_load %arg9[%get3A_643, %get3A_644] {strides = array<i32>} : memref<384x128xf32, #tpu.memory_space<vmem>>, vector<1x16xf32>,
      %get3A_646 = vector.shape_cast %get3A_645 : vector<1x16xf32> to vector<16xf32>
      %mul3A_647 = arith.mulf %gather3A_616, %get3A_646 : vector<16xf32>
      %add3A_648 = arith.addf %add3A_579, %mul3A_647 : vector<16xf32>
      %add3A_649 = arith.constant 6 : i32
      %add3A_650 = arith.addi %add3A_198, %add3A_649 : i32
      %get3A_651 = arith.index_cast %add3A_650 : i32 to index
      %get3A_652 = arith.constant 64 : index
      %get3A_653 = tpu.vector_load %arg9[%get3A_651, %get3A_652] {strides = array<i32>} : memref<384x128xf32, #tpu.memory_space<vmem>>, vector<1x16xf32>,
      %get3A_654 = vector.shape_cast %get3A_653 : vector<1x16xf32> to vector<16xf32>
      %mul3A_655 = arith.mulf %gather3A_616, %get3A_654 : vector<16xf32>
      %add3A_656 = arith.addf %add3A_587, %mul3A_655 : vector<16xf32>
      %add3A_657 = arith.constant 6 : i32
      %add3A_658 = arith.addi %add3A_198, %add3A_657 : i32
      %get3A_659 = arith.index_cast %add3A_658 : i32 to index
      %get3A_660 = arith.constant 80 : index
      %get3A_661 = tpu.vector_load %arg9[%get3A_659, %get3A_660] {strides = array<i32>} : memref<384x128xf32, #tpu.memory_space<vmem>>, vector<1x16xf32>,
      %get3A_662 = vector.shape_cast %get3A_661 : vector<1x16xf32> to vector<16xf32>
      %mul3A_663 = arith.mulf %gather3A_616, %get3A_662 : vector<16xf32>
      %add3A_664 = arith.addf %add3A_595, %mul3A_663 : vector<16xf32>
      %add3A_665 = arith.constant 6 : i32
      %add3A_666 = arith.addi %add3A_198, %add3A_665 : i32
      %get3A_667 = arith.index_cast %add3A_666 : i32 to index
      %get3A_668 = arith.constant 96 : index
      %get3A_669 = tpu.vector_load %arg9[%get3A_667, %get3A_668] {strides = array<i32>} : memref<384x128xf32, #tpu.memory_space<vmem>>, vector<1x16xf32>,
      %get3A_670 = vector.shape_cast %get3A_669 : vector<1x16xf32> to vector<16xf32>
      %mul3A_671 = arith.mulf %gather3A_616, %get3A_670 : vector<16xf32>
      %add3A_672 = arith.addf %add3A_603, %mul3A_671 : vector<16xf32>
      %add3A_673 = arith.constant 6 : i32
      %add3A_674 = arith.addi %add3A_198, %add3A_673 : i32
      %get3A_675 = arith.index_cast %add3A_674 : i32 to index
      %get3A_676 = arith.constant 112 : index
      %get3A_677 = tpu.vector_load %arg9[%get3A_675, %get3A_676] {strides = array<i32>} : memref<384x128xf32, #tpu.memory_space<vmem>>, vector<1x16xf32>,
      %get3A_678 = vector.shape_cast %get3A_677 : vector<1x16xf32> to vector<16xf32>
      %mul3A_679 = arith.mulf %gather3A_616, %get3A_678 : vector<16xf32>
      %add3A_680 = arith.addf %add3A_611, %mul3A_679 : vector<16xf32>
      %broadcast_in_dim3A_681 = arith.constant 7 : i32
      %broadcast_in_dim3A_682 = vector.broadcast %broadcast_in_dim3A_681 : i32 to vector<16xi32>
      %broadcast_in_dim3A_683 = vector.shape_cast %broadcast_in_dim3A_682 : vector<16xi32> to vector<16x1xi32>
      %gather3A_684 = vector.shape_cast %broadcast_in_dim3A_683 : vector<16x1xi32> to vector<16xi32>
      %gather3A_685 = tpu.dynamic_gather %get3A_189[%gather3A_684] in [0] : vector<16xf32>, vector<16xi32> -> vector<16xf32>
      %add3A_686 = arith.constant 7 : i32
      %add3A_687 = arith.addi %add3A_198, %add3A_686 : i32
      %get3A_688 = arith.index_cast %add3A_687 : i32 to index
      %get3A_689 = arith.constant 0 : index
      %get3A_690 = tpu.vector_load %arg9[%get3A_688, %get3A_689] {strides = array<i32>} : memref<384x128xf32, #tpu.memory_space<vmem>>, vector<1x16xf32>,
      %get3A_691 = vector.shape_cast %get3A_690 : vector<1x16xf32> to vector<16xf32>
      %mul3A_692 = arith.mulf %gather3A_685, %get3A_691 : vector<16xf32>
      %add3A_693 = arith.addf %add3A_624, %mul3A_692 : vector<16xf32>
      %add3A_694 = arith.constant 7 : i32
      %add3A_695 = arith.addi %add3A_198, %add3A_694 : i32
      %get3A_696 = arith.index_cast %add3A_695 : i32 to index
      %get3A_697 = arith.constant 16 : index
      %get3A_698 = tpu.vector_load %arg9[%get3A_696, %get3A_697] {strides = array<i32>} : memref<384x128xf32, #tpu.memory_space<vmem>>, vector<1x16xf32>,
      %get3A_699 = vector.shape_cast %get3A_698 : vector<1x16xf32> to vector<16xf32>
      %mul3A_700 = arith.mulf %gather3A_685, %get3A_699 : vector<16xf32>
      %add3A_701 = arith.addf %add3A_632, %mul3A_700 : vector<16xf32>
      %add3A_702 = arith.constant 7 : i32
      %add3A_703 = arith.addi %add3A_198, %add3A_702 : i32
      %get3A_704 = arith.index_cast %add3A_703 : i32 to index
      %get3A_705 = arith.constant 32 : index
      %get3A_706 = tpu.vector_load %arg9[%get3A_704, %get3A_705] {strides = array<i32>} : memref<384x128xf32, #tpu.memory_space<vmem>>, vector<1x16xf32>,
      %get3A_707 = vector.shape_cast %get3A_706 : vector<1x16xf32> to vector<16xf32>
      %mul3A_708 = arith.mulf %gather3A_685, %get3A_707 : vector<16xf32>
      %add3A_709 = arith.addf %add3A_640, %mul3A_708 : vector<16xf32>
      %add3A_710 = arith.constant 7 : i32
      %add3A_711 = arith.addi %add3A_198, %add3A_710 : i32
      %get3A_712 = arith.index_cast %add3A_711 : i32 to index
      %get3A_713 = arith.constant 48 : index
      %get3A_714 = tpu.vector_load %arg9[%get3A_712, %get3A_713] {strides = array<i32>} : memref<384x128xf32, #tpu.memory_space<vmem>>, vector<1x16xf32>,
      %get3A_715 = vector.shape_cast %get3A_714 : vector<1x16xf32> to vector<16xf32>
      %mul3A_716 = arith.mulf %gather3A_685, %get3A_715 : vector<16xf32>
      %add3A_717 = arith.addf %add3A_648, %mul3A_716 : vector<16xf32>
      %add3A_718 = arith.constant 7 : i32
      %add3A_719 = arith.addi %add3A_198, %add3A_718 : i32
      %get3A_720 = arith.index_cast %add3A_719 : i32 to index
      %get3A_721 = arith.constant 64 : index
      %get3A_722 = tpu.vector_load %arg9[%get3A_720, %get3A_721] {strides = array<i32>} : memref<384x128xf32, #tpu.memory_space<vmem>>, vector<1x16xf32>,
      %get3A_723 = vector.shape_cast %get3A_722 : vector<1x16xf32> to vector<16xf32>
      %mul3A_724 = arith.mulf %gather3A_685, %get3A_723 : vector<16xf32>
      %add3A_725 = arith.addf %add3A_656, %mul3A_724 : vector<16xf32>
      %add3A_726 = arith.constant 7 : i32
      %add3A_727 = arith.addi %add3A_198, %add3A_726 : i32
      %get3A_728 = arith.index_cast %add3A_727 : i32 to index
      %get3A_729 = arith.constant 80 : index
      %get3A_730 = tpu.vector_load %arg9[%get3A_728, %get3A_729] {strides = array<i32>} : memref<384x128xf32, #tpu.memory_space<vmem>>, vector<1x16xf32>,
      %get3A_731 = vector.shape_cast %get3A_730 : vector<1x16xf32> to vector<16xf32>
      %mul3A_732 = arith.mulf %gather3A_685, %get3A_731 : vector<16xf32>
      %add3A_733 = arith.addf %add3A_664, %mul3A_732 : vector<16xf32>
      %add3A_734 = arith.constant 7 : i32
      %add3A_735 = arith.addi %add3A_198, %add3A_734 : i32
      %get3A_736 = arith.index_cast %add3A_735 : i32 to index
      %get3A_737 = arith.constant 96 : index
      %get3A_738 = tpu.vector_load %arg9[%get3A_736, %get3A_737] {strides = array<i32>} : memref<384x128xf32, #tpu.memory_space<vmem>>, vector<1x16xf32>,
      %get3A_739 = vector.shape_cast %get3A_738 : vector<1x16xf32> to vector<16xf32>
      %mul3A_740 = arith.mulf %gather3A_685, %get3A_739 : vector<16xf32>
      %add3A_741 = arith.addf %add3A_672, %mul3A_740 : vector<16xf32>
      %add3A_742 = arith.constant 7 : i32
      %add3A_743 = arith.addi %add3A_198, %add3A_742 : i32
      %get3A_744 = arith.index_cast %add3A_743 : i32 to index
      %get3A_745 = arith.constant 112 : index
      %get3A_746 = tpu.vector_load %arg9[%get3A_744, %get3A_745] {strides = array<i32>} : memref<384x128xf32, #tpu.memory_space<vmem>>, vector<1x16xf32>,
      %get3A_747 = vector.shape_cast %get3A_746 : vector<1x16xf32> to vector<16xf32>
      %mul3A_748 = arith.mulf %gather3A_685, %get3A_747 : vector<16xf32>
      %add3A_749 = arith.addf %add3A_680, %mul3A_748 : vector<16xf32>
      %broadcast_in_dim3A_750 = arith.constant 8 : i32
      %broadcast_in_dim3A_751 = vector.broadcast %broadcast_in_dim3A_750 : i32 to vector<16xi32>
      %broadcast_in_dim3A_752 = vector.shape_cast %broadcast_in_dim3A_751 : vector<16xi32> to vector<16x1xi32>
      %gather3A_753 = vector.shape_cast %broadcast_in_dim3A_752 : vector<16x1xi32> to vector<16xi32>
      %gather3A_754 = tpu.dynamic_gather %get3A_189[%gather3A_753] in [0] : vector<16xf32>, vector<16xi32> -> vector<16xf32>
      %add3A_755 = arith.constant 8 : i32
      %add3A_756 = arith.addi %add3A_198, %add3A_755 : i32
      %get3A_757 = arith.index_cast %add3A_756 : i32 to index
      %get3A_758 = arith.constant 0 : index
      %get3A_759 = tpu.vector_load %arg9[%get3A_757, %get3A_758] {strides = array<i32>} : memref<384x128xf32, #tpu.memory_space<vmem>>, vector<1x16xf32>,
      %get3A_760 = vector.shape_cast %get3A_759 : vector<1x16xf32> to vector<16xf32>
      %mul3A_761 = arith.mulf %gather3A_754, %get3A_760 : vector<16xf32>
      %add3A_762 = arith.addf %add3A_693, %mul3A_761 : vector<16xf32>
      %add3A_763 = arith.constant 8 : i32
      %add3A_764 = arith.addi %add3A_198, %add3A_763 : i32
      %get3A_765 = arith.index_cast %add3A_764 : i32 to index
      %get3A_766 = arith.constant 16 : index
      %get3A_767 = tpu.vector_load %arg9[%get3A_765, %get3A_766] {strides = array<i32>} : memref<384x128xf32, #tpu.memory_space<vmem>>, vector<1x16xf32>,
      %get3A_768 = vector.shape_cast %get3A_767 : vector<1x16xf32> to vector<16xf32>
      %mul3A_769 = arith.mulf %gather3A_754, %get3A_768 : vector<16xf32>
      %add3A_770 = arith.addf %add3A_701, %mul3A_769 : vector<16xf32>
      %add3A_771 = arith.constant 8 : i32
      %add3A_772 = arith.addi %add3A_198, %add3A_771 : i32
      %get3A_773 = arith.index_cast %add3A_772 : i32 to index
      %get3A_774 = arith.constant 32 : index
      %get3A_775 = tpu.vector_load %arg9[%get3A_773, %get3A_774] {strides = array<i32>} : memref<384x128xf32, #tpu.memory_space<vmem>>, vector<1x16xf32>,
      %get3A_776 = vector.shape_cast %get3A_775 : vector<1x16xf32> to vector<16xf32>
      %mul3A_777 = arith.mulf %gather3A_754, %get3A_776 : vector<16xf32>
      %add3A_778 = arith.addf %add3A_709, %mul3A_777 : vector<16xf32>
      %add3A_779 = arith.constant 8 : i32
      %add3A_780 = arith.addi %add3A_198, %add3A_779 : i32
      %get3A_781 = arith.index_cast %add3A_780 : i32 to index
      %get3A_782 = arith.constant 48 : index
      %get3A_783 = tpu.vector_load %arg9[%get3A_781, %get3A_782] {strides = array<i32>} : memref<384x128xf32, #tpu.memory_space<vmem>>, vector<1x16xf32>,
      %get3A_784 = vector.shape_cast %get3A_783 : vector<1x16xf32> to vector<16xf32>
      %mul3A_785 = arith.mulf %gather3A_754, %get3A_784 : vector<16xf32>
      %add3A_786 = arith.addf %add3A_717, %mul3A_785 : vector<16xf32>
      %add3A_787 = arith.constant 8 : i32
      %add3A_788 = arith.addi %add3A_198, %add3A_787 : i32
      %get3A_789 = arith.index_cast %add3A_788 : i32 to index
      %get3A_790 = arith.constant 64 : index
      %get3A_791 = tpu.vector_load %arg9[%get3A_789, %get3A_790] {strides = array<i32>} : memref<384x128xf32, #tpu.memory_space<vmem>>, vector<1x16xf32>,
      %get3A_792 = vector.shape_cast %get3A_791 : vector<1x16xf32> to vector<16xf32>
      %mul3A_793 = arith.mulf %gather3A_754, %get3A_792 : vector<16xf32>
      %add3A_794 = arith.addf %add3A_725, %mul3A_793 : vector<16xf32>
      %add3A_795 = arith.constant 8 : i32
      %add3A_796 = arith.addi %add3A_198, %add3A_795 : i32
      %get3A_797 = arith.index_cast %add3A_796 : i32 to index
      %get3A_798 = arith.constant 80 : index
      %get3A_799 = tpu.vector_load %arg9[%get3A_797, %get3A_798] {strides = array<i32>} : memref<384x128xf32, #tpu.memory_space<vmem>>, vector<1x16xf32>,
      %get3A_800 = vector.shape_cast %get3A_799 : vector<1x16xf32> to vector<16xf32>
      %mul3A_801 = arith.mulf %gather3A_754, %get3A_800 : vector<16xf32>
      %add3A_802 = arith.addf %add3A_733, %mul3A_801 : vector<16xf32>
      %add3A_803 = arith.constant 8 : i32
      %add3A_804 = arith.addi %add3A_198, %add3A_803 : i32
      %get3A_805 = arith.index_cast %add3A_804 : i32 to index
      %get3A_806 = arith.constant 96 : index
      %get3A_807 = tpu.vector_load %arg9[%get3A_805, %get3A_806] {strides = array<i32>} : memref<384x128xf32, #tpu.memory_space<vmem>>, vector<1x16xf32>,
      %get3A_808 = vector.shape_cast %get3A_807 : vector<1x16xf32> to vector<16xf32>
      %mul3A_809 = arith.mulf %gather3A_754, %get3A_808 : vector<16xf32>
      %add3A_810 = arith.addf %add3A_741, %mul3A_809 : vector<16xf32>
      %add3A_811 = arith.constant 8 : i32
      %add3A_812 = arith.addi %add3A_198, %add3A_811 : i32
      %get3A_813 = arith.index_cast %add3A_812 : i32 to index
      %get3A_814 = arith.constant 112 : index
      %get3A_815 = tpu.vector_load %arg9[%get3A_813, %get3A_814] {strides = array<i32>} : memref<384x128xf32, #tpu.memory_space<vmem>>, vector<1x16xf32>,
      %get3A_816 = vector.shape_cast %get3A_815 : vector<1x16xf32> to vector<16xf32>
      %mul3A_817 = arith.mulf %gather3A_754, %get3A_816 : vector<16xf32>
      %add3A_818 = arith.addf %add3A_749, %mul3A_817 : vector<16xf32>
      %broadcast_in_dim3A_819 = arith.constant 9 : i32
      %broadcast_in_dim3A_820 = vector.broadcast %broadcast_in_dim3A_819 : i32 to vector<16xi32>
      %broadcast_in_dim3A_821 = vector.shape_cast %broadcast_in_dim3A_820 : vector<16xi32> to vector<16x1xi32>
      %gather3A_822 = vector.shape_cast %broadcast_in_dim3A_821 : vector<16x1xi32> to vector<16xi32>
      %gather3A_823 = tpu.dynamic_gather %get3A_189[%gather3A_822] in [0] : vector<16xf32>, vector<16xi32> -> vector<16xf32>
      %add3A_824 = arith.constant 9 : i32
      %add3A_825 = arith.addi %add3A_198, %add3A_824 : i32
      %get3A_826 = arith.index_cast %add3A_825 : i32 to index
      %get3A_827 = arith.constant 0 : index
      %get3A_828 = tpu.vector_load %arg9[%get3A_826, %get3A_827] {strides = array<i32>} : memref<384x128xf32, #tpu.memory_space<vmem>>, vector<1x16xf32>,
      %get3A_829 = vector.shape_cast %get3A_828 : vector<1x16xf32> to vector<16xf32>
      %mul3A_830 = arith.mulf %gather3A_823, %get3A_829 : vector<16xf32>
      %add3A_831 = arith.addf %add3A_762, %mul3A_830 : vector<16xf32>
      %add3A_832 = arith.constant 9 : i32
      %add3A_833 = arith.addi %add3A_198, %add3A_832 : i32
      %get3A_834 = arith.index_cast %add3A_833 : i32 to index
      %get3A_835 = arith.constant 16 : index
      %get3A_836 = tpu.vector_load %arg9[%get3A_834, %get3A_835] {strides = array<i32>} : memref<384x128xf32, #tpu.memory_space<vmem>>, vector<1x16xf32>,
      %get3A_837 = vector.shape_cast %get3A_836 : vector<1x16xf32> to vector<16xf32>
      %mul3A_838 = arith.mulf %gather3A_823, %get3A_837 : vector<16xf32>
      %add3A_839 = arith.addf %add3A_770, %mul3A_838 : vector<16xf32>
      %add3A_840 = arith.constant 9 : i32
      %add3A_841 = arith.addi %add3A_198, %add3A_840 : i32
      %get3A_842 = arith.index_cast %add3A_841 : i32 to index
      %get3A_843 = arith.constant 32 : index
      %get3A_844 = tpu.vector_load %arg9[%get3A_842, %get3A_843] {strides = array<i32>} : memref<384x128xf32, #tpu.memory_space<vmem>>, vector<1x16xf32>,
      %get3A_845 = vector.shape_cast %get3A_844 : vector<1x16xf32> to vector<16xf32>
      %mul3A_846 = arith.mulf %gather3A_823, %get3A_845 : vector<16xf32>
      %add3A_847 = arith.addf %add3A_778, %mul3A_846 : vector<16xf32>
      %add3A_848 = arith.constant 9 : i32
      %add3A_849 = arith.addi %add3A_198, %add3A_848 : i32
      %get3A_850 = arith.index_cast %add3A_849 : i32 to index
      %get3A_851 = arith.constant 48 : index
      %get3A_852 = tpu.vector_load %arg9[%get3A_850, %get3A_851] {strides = array<i32>} : memref<384x128xf32, #tpu.memory_space<vmem>>, vector<1x16xf32>,
      %get3A_853 = vector.shape_cast %get3A_852 : vector<1x16xf32> to vector<16xf32>
      %mul3A_854 = arith.mulf %gather3A_823, %get3A_853 : vector<16xf32>
      %add3A_855 = arith.addf %add3A_786, %mul3A_854 : vector<16xf32>
      %add3A_856 = arith.constant 9 : i32
      %add3A_857 = arith.addi %add3A_198, %add3A_856 : i32
      %get3A_858 = arith.index_cast %add3A_857 : i32 to index
      %get3A_859 = arith.constant 64 : index
      %get3A_860 = tpu.vector_load %arg9[%get3A_858, %get3A_859] {strides = array<i32>} : memref<384x128xf32, #tpu.memory_space<vmem>>, vector<1x16xf32>,
      %get3A_861 = vector.shape_cast %get3A_860 : vector<1x16xf32> to vector<16xf32>
      %mul3A_862 = arith.mulf %gather3A_823, %get3A_861 : vector<16xf32>
      %add3A_863 = arith.addf %add3A_794, %mul3A_862 : vector<16xf32>
      %add3A_864 = arith.constant 9 : i32
      %add3A_865 = arith.addi %add3A_198, %add3A_864 : i32
      %get3A_866 = arith.index_cast %add3A_865 : i32 to index
      %get3A_867 = arith.constant 80 : index
      %get3A_868 = tpu.vector_load %arg9[%get3A_866, %get3A_867] {strides = array<i32>} : memref<384x128xf32, #tpu.memory_space<vmem>>, vector<1x16xf32>,
      %get3A_869 = vector.shape_cast %get3A_868 : vector<1x16xf32> to vector<16xf32>
      %mul3A_870 = arith.mulf %gather3A_823, %get3A_869 : vector<16xf32>
      %add3A_871 = arith.addf %add3A_802, %mul3A_870 : vector<16xf32>
      %add3A_872 = arith.constant 9 : i32
      %add3A_873 = arith.addi %add3A_198, %add3A_872 : i32
      %get3A_874 = arith.index_cast %add3A_873 : i32 to index
      %get3A_875 = arith.constant 96 : index
      %get3A_876 = tpu.vector_load %arg9[%get3A_874, %get3A_875] {strides = array<i32>} : memref<384x128xf32, #tpu.memory_space<vmem>>, vector<1x16xf32>,
      %get3A_877 = vector.shape_cast %get3A_876 : vector<1x16xf32> to vector<16xf32>
      %mul3A_878 = arith.mulf %gather3A_823, %get3A_877 : vector<16xf32>
      %add3A_879 = arith.addf %add3A_810, %mul3A_878 : vector<16xf32>
      %add3A_880 = arith.constant 9 : i32
      %add3A_881 = arith.addi %add3A_198, %add3A_880 : i32
      %get3A_882 = arith.index_cast %add3A_881 : i32 to index
      %get3A_883 = arith.constant 112 : index
      %get3A_884 = tpu.vector_load %arg9[%get3A_882, %get3A_883] {strides = array<i32>} : memref<384x128xf32, #tpu.memory_space<vmem>>, vector<1x16xf32>,
      %get3A_885 = vector.shape_cast %get3A_884 : vector<1x16xf32> to vector<16xf32>
      %mul3A_886 = arith.mulf %gather3A_823, %get3A_885 : vector<16xf32>
      %add3A_887 = arith.addf %add3A_818, %mul3A_886 : vector<16xf32>
      %broadcast_in_dim3A_888 = arith.constant 10 : i32
      %broadcast_in_dim3A_889 = vector.broadcast %broadcast_in_dim3A_888 : i32 to vector<16xi32>
      %broadcast_in_dim3A_890 = vector.shape_cast %broadcast_in_dim3A_889 : vector<16xi32> to vector<16x1xi32>
      %gather3A_891 = vector.shape_cast %broadcast_in_dim3A_890 : vector<16x1xi32> to vector<16xi32>
      %gather3A_892 = tpu.dynamic_gather %get3A_189[%gather3A_891] in [0] : vector<16xf32>, vector<16xi32> -> vector<16xf32>
      %add3A_893 = arith.constant 10 : i32
      %add3A_894 = arith.addi %add3A_198, %add3A_893 : i32
      %get3A_895 = arith.index_cast %add3A_894 : i32 to index
      %get3A_896 = arith.constant 0 : index
      %get3A_897 = tpu.vector_load %arg9[%get3A_895, %get3A_896] {strides = array<i32>} : memref<384x128xf32, #tpu.memory_space<vmem>>, vector<1x16xf32>,
      %get3A_898 = vector.shape_cast %get3A_897 : vector<1x16xf32> to vector<16xf32>
      %mul3A_899 = arith.mulf %gather3A_892, %get3A_898 : vector<16xf32>
      %add3A_900 = arith.addf %add3A_831, %mul3A_899 : vector<16xf32>
      %add3A_901 = arith.constant 10 : i32
      %add3A_902 = arith.addi %add3A_198, %add3A_901 : i32
      %get3A_903 = arith.index_cast %add3A_902 : i32 to index
      %get3A_904 = arith.constant 16 : index
      %get3A_905 = tpu.vector_load %arg9[%get3A_903, %get3A_904] {strides = array<i32>} : memref<384x128xf32, #tpu.memory_space<vmem>>, vector<1x16xf32>,
      %get3A_906 = vector.shape_cast %get3A_905 : vector<1x16xf32> to vector<16xf32>
      %mul3A_907 = arith.mulf %gather3A_892, %get3A_906 : vector<16xf32>
      %add3A_908 = arith.addf %add3A_839, %mul3A_907 : vector<16xf32>
      %add3A_909 = arith.constant 10 : i32
      %add3A_910 = arith.addi %add3A_198, %add3A_909 : i32
      %get3A_911 = arith.index_cast %add3A_910 : i32 to index
      %get3A_912 = arith.constant 32 : index
      %get3A_913 = tpu.vector_load %arg9[%get3A_911, %get3A_912] {strides = array<i32>} : memref<384x128xf32, #tpu.memory_space<vmem>>, vector<1x16xf32>,
      %get3A_914 = vector.shape_cast %get3A_913 : vector<1x16xf32> to vector<16xf32>
      %mul3A_915 = arith.mulf %gather3A_892, %get3A_914 : vector<16xf32>
      %add3A_916 = arith.addf %add3A_847, %mul3A_915 : vector<16xf32>
      %add3A_917 = arith.constant 10 : i32
      %add3A_918 = arith.addi %add3A_198, %add3A_917 : i32
      %get3A_919 = arith.index_cast %add3A_918 : i32 to index
      %get3A_920 = arith.constant 48 : index
      %get3A_921 = tpu.vector_load %arg9[%get3A_919, %get3A_920] {strides = array<i32>} : memref<384x128xf32, #tpu.memory_space<vmem>>, vector<1x16xf32>,
      %get3A_922 = vector.shape_cast %get3A_921 : vector<1x16xf32> to vector<16xf32>
      %mul3A_923 = arith.mulf %gather3A_892, %get3A_922 : vector<16xf32>
      %add3A_924 = arith.addf %add3A_855, %mul3A_923 : vector<16xf32>
      %add3A_925 = arith.constant 10 : i32
      %add3A_926 = arith.addi %add3A_198, %add3A_925 : i32
      %get3A_927 = arith.index_cast %add3A_926 : i32 to index
      %get3A_928 = arith.constant 64 : index
      %get3A_929 = tpu.vector_load %arg9[%get3A_927, %get3A_928] {strides = array<i32>} : memref<384x128xf32, #tpu.memory_space<vmem>>, vector<1x16xf32>,
      %get3A_930 = vector.shape_cast %get3A_929 : vector<1x16xf32> to vector<16xf32>
      %mul3A_931 = arith.mulf %gather3A_892, %get3A_930 : vector<16xf32>
      %add3A_932 = arith.addf %add3A_863, %mul3A_931 : vector<16xf32>
      %add3A_933 = arith.constant 10 : i32
      %add3A_934 = arith.addi %add3A_198, %add3A_933 : i32
      %get3A_935 = arith.index_cast %add3A_934 : i32 to index
      %get3A_936 = arith.constant 80 : index
      %get3A_937 = tpu.vector_load %arg9[%get3A_935, %get3A_936] {strides = array<i32>} : memref<384x128xf32, #tpu.memory_space<vmem>>, vector<1x16xf32>,
      %get3A_938 = vector.shape_cast %get3A_937 : vector<1x16xf32> to vector<16xf32>
      %mul3A_939 = arith.mulf %gather3A_892, %get3A_938 : vector<16xf32>
      %add3A_940 = arith.addf %add3A_871, %mul3A_939 : vector<16xf32>
      %add3A_941 = arith.constant 10 : i32
      %add3A_942 = arith.addi %add3A_198, %add3A_941 : i32
      %get3A_943 = arith.index_cast %add3A_942 : i32 to index
      %get3A_944 = arith.constant 96 : index
      %get3A_945 = tpu.vector_load %arg9[%get3A_943, %get3A_944] {strides = array<i32>} : memref<384x128xf32, #tpu.memory_space<vmem>>, vector<1x16xf32>,
      %get3A_946 = vector.shape_cast %get3A_945 : vector<1x16xf32> to vector<16xf32>
      %mul3A_947 = arith.mulf %gather3A_892, %get3A_946 : vector<16xf32>
      %add3A_948 = arith.addf %add3A_879, %mul3A_947 : vector<16xf32>
      %add3A_949 = arith.constant 10 : i32
      %add3A_950 = arith.addi %add3A_198, %add3A_949 : i32
      %get3A_951 = arith.index_cast %add3A_950 : i32 to index
      %get3A_952 = arith.constant 112 : index
      %get3A_953 = tpu.vector_load %arg9[%get3A_951, %get3A_952] {strides = array<i32>} : memref<384x128xf32, #tpu.memory_space<vmem>>, vector<1x16xf32>,
      %get3A_954 = vector.shape_cast %get3A_953 : vector<1x16xf32> to vector<16xf32>
      %mul3A_955 = arith.mulf %gather3A_892, %get3A_954 : vector<16xf32>
      %add3A_956 = arith.addf %add3A_887, %mul3A_955 : vector<16xf32>
      %broadcast_in_dim3A_957 = arith.constant 11 : i32
      %broadcast_in_dim3A_958 = vector.broadcast %broadcast_in_dim3A_957 : i32 to vector<16xi32>
      %broadcast_in_dim3A_959 = vector.shape_cast %broadcast_in_dim3A_958 : vector<16xi32> to vector<16x1xi32>
      %gather3A_960 = vector.shape_cast %broadcast_in_dim3A_959 : vector<16x1xi32> to vector<16xi32>
      %gather3A_961 = tpu.dynamic_gather %get3A_189[%gather3A_960] in [0] : vector<16xf32>, vector<16xi32> -> vector<16xf32>
      %add3A_962 = arith.constant 11 : i32
      %add3A_963 = arith.addi %add3A_198, %add3A_962 : i32
      %get3A_964 = arith.index_cast %add3A_963 : i32 to index
      %get3A_965 = arith.constant 0 : index
      %get3A_966 = tpu.vector_load %arg9[%get3A_964, %get3A_965] {strides = array<i32>} : memref<384x128xf32, #tpu.memory_space<vmem>>, vector<1x16xf32>,
      %get3A_967 = vector.shape_cast %get3A_966 : vector<1x16xf32> to vector<16xf32>
      %mul3A_968 = arith.mulf %gather3A_961, %get3A_967 : vector<16xf32>
      %add3A_969 = arith.addf %add3A_900, %mul3A_968 : vector<16xf32>
      %add3A_970 = arith.constant 11 : i32
      %add3A_971 = arith.addi %add3A_198, %add3A_970 : i32
      %get3A_972 = arith.index_cast %add3A_971 : i32 to index
      %get3A_973 = arith.constant 16 : index
      %get3A_974 = tpu.vector_load %arg9[%get3A_972, %get3A_973] {strides = array<i32>} : memref<384x128xf32, #tpu.memory_space<vmem>>, vector<1x16xf32>,
      %get3A_975 = vector.shape_cast %get3A_974 : vector<1x16xf32> to vector<16xf32>
      %mul3A_976 = arith.mulf %gather3A_961, %get3A_975 : vector<16xf32>
      %add3A_977 = arith.addf %add3A_908, %mul3A_976 : vector<16xf32>
      %add3A_978 = arith.constant 11 : i32
      %add3A_979 = arith.addi %add3A_198, %add3A_978 : i32
      %get3A_980 = arith.index_cast %add3A_979 : i32 to index
      %get3A_981 = arith.constant 32 : index
      %get3A_982 = tpu.vector_load %arg9[%get3A_980, %get3A_981] {strides = array<i32>} : memref<384x128xf32, #tpu.memory_space<vmem>>, vector<1x16xf32>,
      %get3A_983 = vector.shape_cast %get3A_982 : vector<1x16xf32> to vector<16xf32>
      %mul3A_984 = arith.mulf %gather3A_961, %get3A_983 : vector<16xf32>
      %add3A_985 = arith.addf %add3A_916, %mul3A_984 : vector<16xf32>
      %add3A_986 = arith.constant 11 : i32
      %add3A_987 = arith.addi %add3A_198, %add3A_986 : i32
      %get3A_988 = arith.index_cast %add3A_987 : i32 to index
      %get3A_989 = arith.constant 48 : index
      %get3A_990 = tpu.vector_load %arg9[%get3A_988, %get3A_989] {strides = array<i32>} : memref<384x128xf32, #tpu.memory_space<vmem>>, vector<1x16xf32>,
      %get3A_991 = vector.shape_cast %get3A_990 : vector<1x16xf32> to vector<16xf32>
      %mul3A_992 = arith.mulf %gather3A_961, %get3A_991 : vector<16xf32>
      %add3A_993 = arith.addf %add3A_924, %mul3A_992 : vector<16xf32>
      %add3A_994 = arith.constant 11 : i32
      %add3A_995 = arith.addi %add3A_198, %add3A_994 : i32
      %get3A_996 = arith.index_cast %add3A_995 : i32 to index
      %get3A_997 = arith.constant 64 : index
      %get3A_998 = tpu.vector_load %arg9[%get3A_996, %get3A_997] {strides = array<i32>} : memref<384x128xf32, #tpu.memory_space<vmem>>, vector<1x16xf32>,
      %get3A_999 = vector.shape_cast %get3A_998 : vector<1x16xf32> to vector<16xf32>
      %mul3A_1000 = arith.mulf %gather3A_961, %get3A_999 : vector<16xf32>
      %add3A_1001 = arith.addf %add3A_932, %mul3A_1000 : vector<16xf32>
      %add3A_1002 = arith.constant 11 : i32
      %add3A_1003 = arith.addi %add3A_198, %add3A_1002 : i32
      %get3A_1004 = arith.index_cast %add3A_1003 : i32 to index
      %get3A_1005 = arith.constant 80 : index
      %get3A_1006 = tpu.vector_load %arg9[%get3A_1004, %get3A_1005] {strides = array<i32>} : memref<384x128xf32, #tpu.memory_space<vmem>>, vector<1x16xf32>,
      %get3A_1007 = vector.shape_cast %get3A_1006 : vector<1x16xf32> to vector<16xf32>
      %mul3A_1008 = arith.mulf %gather3A_961, %get3A_1007 : vector<16xf32>
      %add3A_1009 = arith.addf %add3A_940, %mul3A_1008 : vector<16xf32>
      %add3A_1010 = arith.constant 11 : i32
      %add3A_1011 = arith.addi %add3A_198, %add3A_1010 : i32
      %get3A_1012 = arith.index_cast %add3A_1011 : i32 to index
      %get3A_1013 = arith.constant 96 : index
      %get3A_1014 = tpu.vector_load %arg9[%get3A_1012, %get3A_1013] {strides = array<i32>} : memref<384x128xf32, #tpu.memory_space<vmem>>, vector<1x16xf32>,
      %get3A_1015 = vector.shape_cast %get3A_1014 : vector<1x16xf32> to vector<16xf32>
      %mul3A_1016 = arith.mulf %gather3A_961, %get3A_1015 : vector<16xf32>
      %add3A_1017 = arith.addf %add3A_948, %mul3A_1016 : vector<16xf32>
      %add3A_1018 = arith.constant 11 : i32
      %add3A_1019 = arith.addi %add3A_198, %add3A_1018 : i32
      %get3A_1020 = arith.index_cast %add3A_1019 : i32 to index
      %get3A_1021 = arith.constant 112 : index
      %get3A_1022 = tpu.vector_load %arg9[%get3A_1020, %get3A_1021] {strides = array<i32>} : memref<384x128xf32, #tpu.memory_space<vmem>>, vector<1x16xf32>,
      %get3A_1023 = vector.shape_cast %get3A_1022 : vector<1x16xf32> to vector<16xf32>
      %mul3A_1024 = arith.mulf %gather3A_961, %get3A_1023 : vector<16xf32>
      %add3A_1025 = arith.addf %add3A_956, %mul3A_1024 : vector<16xf32>
      %broadcast_in_dim3A_1026 = arith.constant 12 : i32
      %broadcast_in_dim3A_1027 = vector.broadcast %broadcast_in_dim3A_1026 : i32 to vector<16xi32>
      %broadcast_in_dim3A_1028 = vector.shape_cast %broadcast_in_dim3A_1027 : vector<16xi32> to vector<16x1xi32>
      %gather3A_1029 = vector.shape_cast %broadcast_in_dim3A_1028 : vector<16x1xi32> to vector<16xi32>
      %gather3A_1030 = tpu.dynamic_gather %get3A_189[%gather3A_1029] in [0] : vector<16xf32>, vector<16xi32> -> vector<16xf32>
      %add3A_1031 = arith.constant 12 : i32
      %add3A_1032 = arith.addi %add3A_198, %add3A_1031 : i32
      %get3A_1033 = arith.index_cast %add3A_1032 : i32 to index
      %get3A_1034 = arith.constant 0 : index
      %get3A_1035 = tpu.vector_load %arg9[%get3A_1033, %get3A_1034] {strides = array<i32>} : memref<384x128xf32, #tpu.memory_space<vmem>>, vector<1x16xf32>,
      %get3A_1036 = vector.shape_cast %get3A_1035 : vector<1x16xf32> to vector<16xf32>
      %mul3A_1037 = arith.mulf %gather3A_1030, %get3A_1036 : vector<16xf32>
      %add3A_1038 = arith.addf %add3A_969, %mul3A_1037 : vector<16xf32>
      %add3A_1039 = arith.constant 12 : i32
      %add3A_1040 = arith.addi %add3A_198, %add3A_1039 : i32
      %get3A_1041 = arith.index_cast %add3A_1040 : i32 to index
      %get3A_1042 = arith.constant 16 : index
      %get3A_1043 = tpu.vector_load %arg9[%get3A_1041, %get3A_1042] {strides = array<i32>} : memref<384x128xf32, #tpu.memory_space<vmem>>, vector<1x16xf32>,
      %get3A_1044 = vector.shape_cast %get3A_1043 : vector<1x16xf32> to vector<16xf32>
      %mul3A_1045 = arith.mulf %gather3A_1030, %get3A_1044 : vector<16xf32>
      %add3A_1046 = arith.addf %add3A_977, %mul3A_1045 : vector<16xf32>
      %add3A_1047 = arith.constant 12 : i32
      %add3A_1048 = arith.addi %add3A_198, %add3A_1047 : i32
      %get3A_1049 = arith.index_cast %add3A_1048 : i32 to index
      %get3A_1050 = arith.constant 32 : index
      %get3A_1051 = tpu.vector_load %arg9[%get3A_1049, %get3A_1050] {strides = array<i32>} : memref<384x128xf32, #tpu.memory_space<vmem>>, vector<1x16xf32>,
      %get3A_1052 = vector.shape_cast %get3A_1051 : vector<1x16xf32> to vector<16xf32>
      %mul3A_1053 = arith.mulf %gather3A_1030, %get3A_1052 : vector<16xf32>
      %add3A_1054 = arith.addf %add3A_985, %mul3A_1053 : vector<16xf32>
      %add3A_1055 = arith.constant 12 : i32
      %add3A_1056 = arith.addi %add3A_198, %add3A_1055 : i32
      %get3A_1057 = arith.index_cast %add3A_1056 : i32 to index
      %get3A_1058 = arith.constant 48 : index
      %get3A_1059 = tpu.vector_load %arg9[%get3A_1057, %get3A_1058] {strides = array<i32>} : memref<384x128xf32, #tpu.memory_space<vmem>>, vector<1x16xf32>,
      %get3A_1060 = vector.shape_cast %get3A_1059 : vector<1x16xf32> to vector<16xf32>
      %mul3A_1061 = arith.mulf %gather3A_1030, %get3A_1060 : vector<16xf32>
      %add3A_1062 = arith.addf %add3A_993, %mul3A_1061 : vector<16xf32>
      %add3A_1063 = arith.constant 12 : i32
      %add3A_1064 = arith.addi %add3A_198, %add3A_1063 : i32
      %get3A_1065 = arith.index_cast %add3A_1064 : i32 to index
      %get3A_1066 = arith.constant 64 : index
      %get3A_1067 = tpu.vector_load %arg9[%get3A_1065, %get3A_1066] {strides = array<i32>} : memref<384x128xf32, #tpu.memory_space<vmem>>, vector<1x16xf32>,
      %get3A_1068 = vector.shape_cast %get3A_1067 : vector<1x16xf32> to vector<16xf32>
      %mul3A_1069 = arith.mulf %gather3A_1030, %get3A_1068 : vector<16xf32>
      %add3A_1070 = arith.addf %add3A_1001, %mul3A_1069 : vector<16xf32>
      %add3A_1071 = arith.constant 12 : i32
      %add3A_1072 = arith.addi %add3A_198, %add3A_1071 : i32
      %get3A_1073 = arith.index_cast %add3A_1072 : i32 to index
      %get3A_1074 = arith.constant 80 : index
      %get3A_1075 = tpu.vector_load %arg9[%get3A_1073, %get3A_1074] {strides = array<i32>} : memref<384x128xf32, #tpu.memory_space<vmem>>, vector<1x16xf32>,
      %get3A_1076 = vector.shape_cast %get3A_1075 : vector<1x16xf32> to vector<16xf32>
      %mul3A_1077 = arith.mulf %gather3A_1030, %get3A_1076 : vector<16xf32>
      %add3A_1078 = arith.addf %add3A_1009, %mul3A_1077 : vector<16xf32>
      %add3A_1079 = arith.constant 12 : i32
      %add3A_1080 = arith.addi %add3A_198, %add3A_1079 : i32
      %get3A_1081 = arith.index_cast %add3A_1080 : i32 to index
      %get3A_1082 = arith.constant 96 : index
      %get3A_1083 = tpu.vector_load %arg9[%get3A_1081, %get3A_1082] {strides = array<i32>} : memref<384x128xf32, #tpu.memory_space<vmem>>, vector<1x16xf32>,
      %get3A_1084 = vector.shape_cast %get3A_1083 : vector<1x16xf32> to vector<16xf32>
      %mul3A_1085 = arith.mulf %gather3A_1030, %get3A_1084 : vector<16xf32>
      %add3A_1086 = arith.addf %add3A_1017, %mul3A_1085 : vector<16xf32>
      %add3A_1087 = arith.constant 12 : i32
      %add3A_1088 = arith.addi %add3A_198, %add3A_1087 : i32
      %get3A_1089 = arith.index_cast %add3A_1088 : i32 to index
      %get3A_1090 = arith.constant 112 : index
      %get3A_1091 = tpu.vector_load %arg9[%get3A_1089, %get3A_1090] {strides = array<i32>} : memref<384x128xf32, #tpu.memory_space<vmem>>, vector<1x16xf32>,
      %get3A_1092 = vector.shape_cast %get3A_1091 : vector<1x16xf32> to vector<16xf32>
      %mul3A_1093 = arith.mulf %gather3A_1030, %get3A_1092 : vector<16xf32>
      %add3A_1094 = arith.addf %add3A_1025, %mul3A_1093 : vector<16xf32>
      %broadcast_in_dim3A_1095 = arith.constant 13 : i32
      %broadcast_in_dim3A_1096 = vector.broadcast %broadcast_in_dim3A_1095 : i32 to vector<16xi32>
      %broadcast_in_dim3A_1097 = vector.shape_cast %broadcast_in_dim3A_1096 : vector<16xi32> to vector<16x1xi32>
      %gather3A_1098 = vector.shape_cast %broadcast_in_dim3A_1097 : vector<16x1xi32> to vector<16xi32>
      %gather3A_1099 = tpu.dynamic_gather %get3A_189[%gather3A_1098] in [0] : vector<16xf32>, vector<16xi32> -> vector<16xf32>
      %add3A_1100 = arith.constant 13 : i32
      %add3A_1101 = arith.addi %add3A_198, %add3A_1100 : i32
      %get3A_1102 = arith.index_cast %add3A_1101 : i32 to index
      %get3A_1103 = arith.constant 0 : index
      %get3A_1104 = tpu.vector_load %arg9[%get3A_1102, %get3A_1103] {strides = array<i32>} : memref<384x128xf32, #tpu.memory_space<vmem>>, vector<1x16xf32>,
      %get3A_1105 = vector.shape_cast %get3A_1104 : vector<1x16xf32> to vector<16xf32>
      %mul3A_1106 = arith.mulf %gather3A_1099, %get3A_1105 : vector<16xf32>
      %add3A_1107 = arith.addf %add3A_1038, %mul3A_1106 : vector<16xf32>
      %add3A_1108 = arith.constant 13 : i32
      %add3A_1109 = arith.addi %add3A_198, %add3A_1108 : i32
      %get3A_1110 = arith.index_cast %add3A_1109 : i32 to index
      %get3A_1111 = arith.constant 16 : index
      %get3A_1112 = tpu.vector_load %arg9[%get3A_1110, %get3A_1111] {strides = array<i32>} : memref<384x128xf32, #tpu.memory_space<vmem>>, vector<1x16xf32>,
      %get3A_1113 = vector.shape_cast %get3A_1112 : vector<1x16xf32> to vector<16xf32>
      %mul3A_1114 = arith.mulf %gather3A_1099, %get3A_1113 : vector<16xf32>
      %add3A_1115 = arith.addf %add3A_1046, %mul3A_1114 : vector<16xf32>
      %add3A_1116 = arith.constant 13 : i32
      %add3A_1117 = arith.addi %add3A_198, %add3A_1116 : i32
      %get3A_1118 = arith.index_cast %add3A_1117 : i32 to index
      %get3A_1119 = arith.constant 32 : index
      %get3A_1120 = tpu.vector_load %arg9[%get3A_1118, %get3A_1119] {strides = array<i32>} : memref<384x128xf32, #tpu.memory_space<vmem>>, vector<1x16xf32>,
      %get3A_1121 = vector.shape_cast %get3A_1120 : vector<1x16xf32> to vector<16xf32>
      %mul3A_1122 = arith.mulf %gather3A_1099, %get3A_1121 : vector<16xf32>
      %add3A_1123 = arith.addf %add3A_1054, %mul3A_1122 : vector<16xf32>
      %add3A_1124 = arith.constant 13 : i32
      %add3A_1125 = arith.addi %add3A_198, %add3A_1124 : i32
      %get3A_1126 = arith.index_cast %add3A_1125 : i32 to index
      %get3A_1127 = arith.constant 48 : index
      %get3A_1128 = tpu.vector_load %arg9[%get3A_1126, %get3A_1127] {strides = array<i32>} : memref<384x128xf32, #tpu.memory_space<vmem>>, vector<1x16xf32>,
      %get3A_1129 = vector.shape_cast %get3A_1128 : vector<1x16xf32> to vector<16xf32>
      %mul3A_1130 = arith.mulf %gather3A_1099, %get3A_1129 : vector<16xf32>
      %add3A_1131 = arith.addf %add3A_1062, %mul3A_1130 : vector<16xf32>
      %add3A_1132 = arith.constant 13 : i32
      %add3A_1133 = arith.addi %add3A_198, %add3A_1132 : i32
      %get3A_1134 = arith.index_cast %add3A_1133 : i32 to index
      %get3A_1135 = arith.constant 64 : index
      %get3A_1136 = tpu.vector_load %arg9[%get3A_1134, %get3A_1135] {strides = array<i32>} : memref<384x128xf32, #tpu.memory_space<vmem>>, vector<1x16xf32>,
      %get3A_1137 = vector.shape_cast %get3A_1136 : vector<1x16xf32> to vector<16xf32>
      %mul3A_1138 = arith.mulf %gather3A_1099, %get3A_1137 : vector<16xf32>
      %add3A_1139 = arith.addf %add3A_1070, %mul3A_1138 : vector<16xf32>
      %add3A_1140 = arith.constant 13 : i32
      %add3A_1141 = arith.addi %add3A_198, %add3A_1140 : i32
      %get3A_1142 = arith.index_cast %add3A_1141 : i32 to index
      %get3A_1143 = arith.constant 80 : index
      %get3A_1144 = tpu.vector_load %arg9[%get3A_1142, %get3A_1143] {strides = array<i32>} : memref<384x128xf32, #tpu.memory_space<vmem>>, vector<1x16xf32>,
      %get3A_1145 = vector.shape_cast %get3A_1144 : vector<1x16xf32> to vector<16xf32>
      %mul3A_1146 = arith.mulf %gather3A_1099, %get3A_1145 : vector<16xf32>
      %add3A_1147 = arith.addf %add3A_1078, %mul3A_1146 : vector<16xf32>
      %add3A_1148 = arith.constant 13 : i32
      %add3A_1149 = arith.addi %add3A_198, %add3A_1148 : i32
      %get3A_1150 = arith.index_cast %add3A_1149 : i32 to index
      %get3A_1151 = arith.constant 96 : index
      %get3A_1152 = tpu.vector_load %arg9[%get3A_1150, %get3A_1151] {strides = array<i32>} : memref<384x128xf32, #tpu.memory_space<vmem>>, vector<1x16xf32>,
      %get3A_1153 = vector.shape_cast %get3A_1152 : vector<1x16xf32> to vector<16xf32>
      %mul3A_1154 = arith.mulf %gather3A_1099, %get3A_1153 : vector<16xf32>
      %add3A_1155 = arith.addf %add3A_1086, %mul3A_1154 : vector<16xf32>
      %add3A_1156 = arith.constant 13 : i32
      %add3A_1157 = arith.addi %add3A_198, %add3A_1156 : i32
      %get3A_1158 = arith.index_cast %add3A_1157 : i32 to index
      %get3A_1159 = arith.constant 112 : index
      %get3A_1160 = tpu.vector_load %arg9[%get3A_1158, %get3A_1159] {strides = array<i32>} : memref<384x128xf32, #tpu.memory_space<vmem>>, vector<1x16xf32>,
      %get3A_1161 = vector.shape_cast %get3A_1160 : vector<1x16xf32> to vector<16xf32>
      %mul3A_1162 = arith.mulf %gather3A_1099, %get3A_1161 : vector<16xf32>
      %add3A_1163 = arith.addf %add3A_1094, %mul3A_1162 : vector<16xf32>
      %broadcast_in_dim3A_1164 = arith.constant 14 : i32
      %broadcast_in_dim3A_1165 = vector.broadcast %broadcast_in_dim3A_1164 : i32 to vector<16xi32>
      %broadcast_in_dim3A_1166 = vector.shape_cast %broadcast_in_dim3A_1165 : vector<16xi32> to vector<16x1xi32>
      %gather3A_1167 = vector.shape_cast %broadcast_in_dim3A_1166 : vector<16x1xi32> to vector<16xi32>
      %gather3A_1168 = tpu.dynamic_gather %get3A_189[%gather3A_1167] in [0] : vector<16xf32>, vector<16xi32> -> vector<16xf32>
      %add3A_1169 = arith.constant 14 : i32
      %add3A_1170 = arith.addi %add3A_198, %add3A_1169 : i32
      %get3A_1171 = arith.index_cast %add3A_1170 : i32 to index
      %get3A_1172 = arith.constant 0 : index
      %get3A_1173 = tpu.vector_load %arg9[%get3A_1171, %get3A_1172] {strides = array<i32>} : memref<384x128xf32, #tpu.memory_space<vmem>>, vector<1x16xf32>,
      %get3A_1174 = vector.shape_cast %get3A_1173 : vector<1x16xf32> to vector<16xf32>
      %mul3A_1175 = arith.mulf %gather3A_1168, %get3A_1174 : vector<16xf32>
      %add3A_1176 = arith.addf %add3A_1107, %mul3A_1175 : vector<16xf32>
      %add3A_1177 = arith.constant 14 : i32
      %add3A_1178 = arith.addi %add3A_198, %add3A_1177 : i32
      %get3A_1179 = arith.index_cast %add3A_1178 : i32 to index
      %get3A_1180 = arith.constant 16 : index
      %get3A_1181 = tpu.vector_load %arg9[%get3A_1179, %get3A_1180] {strides = array<i32>} : memref<384x128xf32, #tpu.memory_space<vmem>>, vector<1x16xf32>,
      %get3A_1182 = vector.shape_cast %get3A_1181 : vector<1x16xf32> to vector<16xf32>
      %mul3A_1183 = arith.mulf %gather3A_1168, %get3A_1182 : vector<16xf32>
      %add3A_1184 = arith.addf %add3A_1115, %mul3A_1183 : vector<16xf32>
      %add3A_1185 = arith.constant 14 : i32
      %add3A_1186 = arith.addi %add3A_198, %add3A_1185 : i32
      %get3A_1187 = arith.index_cast %add3A_1186 : i32 to index
      %get3A_1188 = arith.constant 32 : index
      %get3A_1189 = tpu.vector_load %arg9[%get3A_1187, %get3A_1188] {strides = array<i32>} : memref<384x128xf32, #tpu.memory_space<vmem>>, vector<1x16xf32>,
      %get3A_1190 = vector.shape_cast %get3A_1189 : vector<1x16xf32> to vector<16xf32>
      %mul3A_1191 = arith.mulf %gather3A_1168, %get3A_1190 : vector<16xf32>
      %add3A_1192 = arith.addf %add3A_1123, %mul3A_1191 : vector<16xf32>
      %add3A_1193 = arith.constant 14 : i32
      %add3A_1194 = arith.addi %add3A_198, %add3A_1193 : i32
      %get3A_1195 = arith.index_cast %add3A_1194 : i32 to index
      %get3A_1196 = arith.constant 48 : index
      %get3A_1197 = tpu.vector_load %arg9[%get3A_1195, %get3A_1196] {strides = array<i32>} : memref<384x128xf32, #tpu.memory_space<vmem>>, vector<1x16xf32>,
      %get3A_1198 = vector.shape_cast %get3A_1197 : vector<1x16xf32> to vector<16xf32>
      %mul3A_1199 = arith.mulf %gather3A_1168, %get3A_1198 : vector<16xf32>
      %add3A_1200 = arith.addf %add3A_1131, %mul3A_1199 : vector<16xf32>
      %add3A_1201 = arith.constant 14 : i32
      %add3A_1202 = arith.addi %add3A_198, %add3A_1201 : i32
      %get3A_1203 = arith.index_cast %add3A_1202 : i32 to index
      %get3A_1204 = arith.constant 64 : index
      %get3A_1205 = tpu.vector_load %arg9[%get3A_1203, %get3A_1204] {strides = array<i32>} : memref<384x128xf32, #tpu.memory_space<vmem>>, vector<1x16xf32>,
      %get3A_1206 = vector.shape_cast %get3A_1205 : vector<1x16xf32> to vector<16xf32>
      %mul3A_1207 = arith.mulf %gather3A_1168, %get3A_1206 : vector<16xf32>
      %add3A_1208 = arith.addf %add3A_1139, %mul3A_1207 : vector<16xf32>
      %add3A_1209 = arith.constant 14 : i32
      %add3A_1210 = arith.addi %add3A_198, %add3A_1209 : i32
      %get3A_1211 = arith.index_cast %add3A_1210 : i32 to index
      %get3A_1212 = arith.constant 80 : index
      %get3A_1213 = tpu.vector_load %arg9[%get3A_1211, %get3A_1212] {strides = array<i32>} : memref<384x128xf32, #tpu.memory_space<vmem>>, vector<1x16xf32>,
      %get3A_1214 = vector.shape_cast %get3A_1213 : vector<1x16xf32> to vector<16xf32>
      %mul3A_1215 = arith.mulf %gather3A_1168, %get3A_1214 : vector<16xf32>
      %add3A_1216 = arith.addf %add3A_1147, %mul3A_1215 : vector<16xf32>
      %add3A_1217 = arith.constant 14 : i32
      %add3A_1218 = arith.addi %add3A_198, %add3A_1217 : i32
      %get3A_1219 = arith.index_cast %add3A_1218 : i32 to index
      %get3A_1220 = arith.constant 96 : index
      %get3A_1221 = tpu.vector_load %arg9[%get3A_1219, %get3A_1220] {strides = array<i32>} : memref<384x128xf32, #tpu.memory_space<vmem>>, vector<1x16xf32>,
      %get3A_1222 = vector.shape_cast %get3A_1221 : vector<1x16xf32> to vector<16xf32>
      %mul3A_1223 = arith.mulf %gather3A_1168, %get3A_1222 : vector<16xf32>
      %add3A_1224 = arith.addf %add3A_1155, %mul3A_1223 : vector<16xf32>
      %add3A_1225 = arith.constant 14 : i32
      %add3A_1226 = arith.addi %add3A_198, %add3A_1225 : i32
      %get3A_1227 = arith.index_cast %add3A_1226 : i32 to index
      %get3A_1228 = arith.constant 112 : index
      %get3A_1229 = tpu.vector_load %arg9[%get3A_1227, %get3A_1228] {strides = array<i32>} : memref<384x128xf32, #tpu.memory_space<vmem>>, vector<1x16xf32>,
      %get3A_1230 = vector.shape_cast %get3A_1229 : vector<1x16xf32> to vector<16xf32>
      %mul3A_1231 = arith.mulf %gather3A_1168, %get3A_1230 : vector<16xf32>
      %add3A_1232 = arith.addf %add3A_1163, %mul3A_1231 : vector<16xf32>
      %broadcast_in_dim3A_1233 = arith.constant 15 : i32
      %broadcast_in_dim3A_1234 = vector.broadcast %broadcast_in_dim3A_1233 : i32 to vector<16xi32>
      %broadcast_in_dim3A_1235 = vector.shape_cast %broadcast_in_dim3A_1234 : vector<16xi32> to vector<16x1xi32>
      %gather3A_1236 = vector.shape_cast %broadcast_in_dim3A_1235 : vector<16x1xi32> to vector<16xi32>
      %gather3A_1237 = tpu.dynamic_gather %get3A_189[%gather3A_1236] in [0] : vector<16xf32>, vector<16xi32> -> vector<16xf32>
      %add3A_1238 = arith.constant 15 : i32
      %add3A_1239 = arith.addi %add3A_198, %add3A_1238 : i32
      %get3A_1240 = arith.index_cast %add3A_1239 : i32 to index
      %get3A_1241 = arith.constant 0 : index
      %get3A_1242 = tpu.vector_load %arg9[%get3A_1240, %get3A_1241] {strides = array<i32>} : memref<384x128xf32, #tpu.memory_space<vmem>>, vector<1x16xf32>,
      %get3A_1243 = vector.shape_cast %get3A_1242 : vector<1x16xf32> to vector<16xf32>
      %mul3A_1244 = arith.mulf %gather3A_1237, %get3A_1243 : vector<16xf32>
      %add3A_1245 = arith.addf %add3A_1176, %mul3A_1244 : vector<16xf32>
      %add3A_1246 = arith.constant 15 : i32
      %add3A_1247 = arith.addi %add3A_198, %add3A_1246 : i32
      %get3A_1248 = arith.index_cast %add3A_1247 : i32 to index
      %get3A_1249 = arith.constant 16 : index
      %get3A_1250 = tpu.vector_load %arg9[%get3A_1248, %get3A_1249] {strides = array<i32>} : memref<384x128xf32, #tpu.memory_space<vmem>>, vector<1x16xf32>,
      %get3A_1251 = vector.shape_cast %get3A_1250 : vector<1x16xf32> to vector<16xf32>
      %mul3A_1252 = arith.mulf %gather3A_1237, %get3A_1251 : vector<16xf32>
      %add3A_1253 = arith.addf %add3A_1184, %mul3A_1252 : vector<16xf32>
      %add3A_1254 = arith.constant 15 : i32
      %add3A_1255 = arith.addi %add3A_198, %add3A_1254 : i32
      %get3A_1256 = arith.index_cast %add3A_1255 : i32 to index
      %get3A_1257 = arith.constant 32 : index
      %get3A_1258 = tpu.vector_load %arg9[%get3A_1256, %get3A_1257] {strides = array<i32>} : memref<384x128xf32, #tpu.memory_space<vmem>>, vector<1x16xf32>,
      %get3A_1259 = vector.shape_cast %get3A_1258 : vector<1x16xf32> to vector<16xf32>
      %mul3A_1260 = arith.mulf %gather3A_1237, %get3A_1259 : vector<16xf32>
      %add3A_1261 = arith.addf %add3A_1192, %mul3A_1260 : vector<16xf32>
      %add3A_1262 = arith.constant 15 : i32
      %add3A_1263 = arith.addi %add3A_198, %add3A_1262 : i32
      %get3A_1264 = arith.index_cast %add3A_1263 : i32 to index
      %get3A_1265 = arith.constant 48 : index
      %get3A_1266 = tpu.vector_load %arg9[%get3A_1264, %get3A_1265] {strides = array<i32>} : memref<384x128xf32, #tpu.memory_space<vmem>>, vector<1x16xf32>,
      %get3A_1267 = vector.shape_cast %get3A_1266 : vector<1x16xf32> to vector<16xf32>
      %mul3A_1268 = arith.mulf %gather3A_1237, %get3A_1267 : vector<16xf32>
      %add3A_1269 = arith.addf %add3A_1200, %mul3A_1268 : vector<16xf32>
      %add3A_1270 = arith.constant 15 : i32
      %add3A_1271 = arith.addi %add3A_198, %add3A_1270 : i32
      %get3A_1272 = arith.index_cast %add3A_1271 : i32 to index
      %get3A_1273 = arith.constant 64 : index
      %get3A_1274 = tpu.vector_load %arg9[%get3A_1272, %get3A_1273] {strides = array<i32>} : memref<384x128xf32, #tpu.memory_space<vmem>>, vector<1x16xf32>,
      %get3A_1275 = vector.shape_cast %get3A_1274 : vector<1x16xf32> to vector<16xf32>
      %mul3A_1276 = arith.mulf %gather3A_1237, %get3A_1275 : vector<16xf32>
      %add3A_1277 = arith.addf %add3A_1208, %mul3A_1276 : vector<16xf32>
      %add3A_1278 = arith.constant 15 : i32
      %add3A_1279 = arith.addi %add3A_198, %add3A_1278 : i32
      %get3A_1280 = arith.index_cast %add3A_1279 : i32 to index
      %get3A_1281 = arith.constant 80 : index
      %get3A_1282 = tpu.vector_load %arg9[%get3A_1280, %get3A_1281] {strides = array<i32>} : memref<384x128xf32, #tpu.memory_space<vmem>>, vector<1x16xf32>,
      %get3A_1283 = vector.shape_cast %get3A_1282 : vector<1x16xf32> to vector<16xf32>
      %mul3A_1284 = arith.mulf %gather3A_1237, %get3A_1283 : vector<16xf32>
      %add3A_1285 = arith.addf %add3A_1216, %mul3A_1284 : vector<16xf32>
      %add3A_1286 = arith.constant 15 : i32
      %add3A_1287 = arith.addi %add3A_198, %add3A_1286 : i32
      %get3A_1288 = arith.index_cast %add3A_1287 : i32 to index
      %get3A_1289 = arith.constant 96 : index
      %get3A_1290 = tpu.vector_load %arg9[%get3A_1288, %get3A_1289] {strides = array<i32>} : memref<384x128xf32, #tpu.memory_space<vmem>>, vector<1x16xf32>,
      %get3A_1291 = vector.shape_cast %get3A_1290 : vector<1x16xf32> to vector<16xf32>
      %mul3A_1292 = arith.mulf %gather3A_1237, %get3A_1291 : vector<16xf32>
      %add3A_1293 = arith.addf %add3A_1224, %mul3A_1292 : vector<16xf32>
      %add3A_1294 = arith.constant 15 : i32
      %add3A_1295 = arith.addi %add3A_198, %add3A_1294 : i32
      %get3A_1296 = arith.index_cast %add3A_1295 : i32 to index
      %get3A_1297 = arith.constant 112 : index
      %get3A_1298 = tpu.vector_load %arg9[%get3A_1296, %get3A_1297] {strides = array<i32>} : memref<384x128xf32, #tpu.memory_space<vmem>>, vector<1x16xf32>,
      %get3A_1299 = vector.shape_cast %get3A_1298 : vector<1x16xf32> to vector<16xf32>
      %mul3A_1300 = arith.mulf %gather3A_1237, %get3A_1299 : vector<16xf32>
      %add3A_1301 = arith.addf %add3A_1232, %mul3A_1300 : vector<16xf32>
      scf.yield %add3A_1245, %add3A_1253, %add3A_1261, %add3A_1269, %add3A_1277, %add3A_1285, %add3A_1293, %add3A_1301 : vector<16xf32>, vector<16xf32>, vector<16xf32>, vector<16xf32>, vector<16xf32>, vector<16xf32>, vector<16xf32>, vector<16xf32>
    }
    %scan3A_68 = arith.constant 192 : i32
    %swap3A = arith.constant 896 : index
    %swap3A_69 = tpu.vector_load %arg10[%swap3A] {strides = array<i32>} : memref<1024xf32, #tpu.memory_space<vmem>>, vector<16xf32>,
    %swap3A_70 = vector.shape_cast %swap3A_69 : vector<16xf32> to vector<16xf32>
    %swap3A_71 = vector.shape_cast %scan3A_67#0 : vector<16xf32> to vector<16xf32>
    tpu.vector_store %arg10[%swap3A], %swap3A_71 {strides = array<i32>} : memref<1024xf32, #tpu.memory_space<vmem>>, vector<16xf32>,
    %swap3A_72 = arith.constant 912 : index
    %swap3A_73 = tpu.vector_load %arg10[%swap3A_72] {strides = array<i32>} : memref<1024xf32, #tpu.memory_space<vmem>>, vector<16xf32>,
    %swap3A_74 = vector.shape_cast %swap3A_73 : vector<16xf32> to vector<16xf32>
    %swap3A_75 = vector.shape_cast %scan3A_67#1 : vector<16xf32> to vector<16xf32>
    tpu.vector_store %arg10[%swap3A_72], %swap3A_75 {strides = array<i32>} : memref<1024xf32, #tpu.memory_space<vmem>>, vector<16xf32>,
    %swap3A_76 = arith.constant 928 : index
    %swap3A_77 = tpu.vector_load %arg10[%swap3A_76] {strides = array<i32>} : memref<1024xf32, #tpu.memory_space<vmem>>, vector<16xf32>,
    %swap3A_78 = vector.shape_cast %swap3A_77 : vector<16xf32> to vector<16xf32>
    %swap3A_79 = vector.shape_cast %scan3A_67#2 : vector<16xf32> to vector<16xf32>
    tpu.vector_store %arg10[%swap3A_76], %swap3A_79 {strides = array<i32>} : memref<1024xf32, #tpu.memory_space<vmem>>, vector<16xf32>,
    %swap3A_80 = arith.constant 944 : index
    %swap3A_81 = tpu.vector_load %arg10[%swap3A_80] {strides = array<i32>} : memref<1024xf32, #tpu.memory_space<vmem>>, vector<16xf32>,
    %swap3A_82 = vector.shape_cast %swap3A_81 : vector<16xf32> to vector<16xf32>
    %swap3A_83 = vector.shape_cast %scan3A_67#3 : vector<16xf32> to vector<16xf32>
    tpu.vector_store %arg10[%swap3A_80], %swap3A_83 {strides = array<i32>} : memref<1024xf32, #tpu.memory_space<vmem>>, vector<16xf32>,
    %swap3A_84 = arith.constant 960 : index
    %swap3A_85 = tpu.vector_load %arg10[%swap3A_84] {strides = array<i32>} : memref<1024xf32, #tpu.memory_space<vmem>>, vector<16xf32>,
    %swap3A_86 = vector.shape_cast %swap3A_85 : vector<16xf32> to vector<16xf32>
    %swap3A_87 = vector.shape_cast %scan3A_67#4 : vector<16xf32> to vector<16xf32>
    tpu.vector_store %arg10[%swap3A_84], %swap3A_87 {strides = array<i32>} : memref<1024xf32, #tpu.memory_space<vmem>>, vector<16xf32>,
    %swap3A_88 = arith.constant 976 : index
    %swap3A_89 = tpu.vector_load %arg10[%swap3A_88] {strides = array<i32>} : memref<1024xf32, #tpu.memory_space<vmem>>, vector<16xf32>,
    %swap3A_90 = vector.shape_cast %swap3A_89 : vector<16xf32> to vector<16xf32>
    %swap3A_91 = vector.shape_cast %scan3A_67#5 : vector<16xf32> to vector<16xf32>
    tpu.vector_store %arg10[%swap3A_88], %swap3A_91 {strides = array<i32>} : memref<1024xf32, #tpu.memory_space<vmem>>, vector<16xf32>,
    %swap3A_92 = arith.constant 992 : index
    %swap3A_93 = tpu.vector_load %arg10[%swap3A_92] {strides = array<i32>} : memref<1024xf32, #tpu.memory_space<vmem>>, vector<16xf32>,
    %swap3A_94 = vector.shape_cast %swap3A_93 : vector<16xf32> to vector<16xf32>
    %swap3A_95 = vector.shape_cast %scan3A_67#6 : vector<16xf32> to vector<16xf32>
    tpu.vector_store %arg10[%swap3A_92], %swap3A_95 {strides = array<i32>} : memref<1024xf32, #tpu.memory_space<vmem>>, vector<16xf32>,
    %swap3A_96 = arith.constant 1008 : index
    %swap3A_97 = tpu.vector_load %arg10[%swap3A_96] {strides = array<i32>} : memref<1024xf32, #tpu.memory_space<vmem>>, vector<16xf32>,
    %swap3A_98 = vector.shape_cast %swap3A_97 : vector<16xf32> to vector<16xf32>
    %swap3A_99 = vector.shape_cast %scan3A_67#7 : vector<16xf32> to vector<16xf32>
    tpu.vector_store %arg10[%swap3A_96], %swap3A_99 {strides = array<i32>} : memref<1024xf32, #tpu.memory_space<vmem>>, vector<16xf32>,
    %add3A_100 = arith.constant 0 : i32
    %add3A_101 = arith.addi %mul3A_2, %add3A_100 : i32
    %run_scoped3A = arith.constant 0 : i32
    "tpu.region"() ({
      %run_scoped3A_123 = tpu.sem_alloc : memref<!tpu.dma_semaphore, #tpu.memory_space<semaphore_mem>>
      %dma_start3A_124 = arith.constant 0 : i32
      %dma_start3A_125 = tpu.memref_slice %arg10[%dma_start3A_124] : memref<1024xf32, #tpu.memory_space<vmem>> -> memref<128xf32, #tpu.memory_space<vmem>>
      %dma_start3A_126 = arith.constant 0 : i32
      %dma_start3A_127 = tpu.memref_slice %arg5[%run_scoped3A, %add3A_101, %dma_start3A_126] : memref<2x128x128xf32, #tpu.memory_space<hbm>> -> memref<1x1x128xf32, #tpu.memory_space<hbm>>
      %dma_start3A_128 = tpu.memref_squeeze %dma_start3A_127 : memref<1x1x128xf32, #tpu.memory_space<hbm>> -> memref<128xf32, #tpu.memory_space<hbm>>
      %dma_start3A_129 = arith.constant 0 : i32
      %dma_start3A_130 = tpu.memref_slice %arg5[%run_scoped3A, %add3A_101, %dma_start3A_129] : memref<2x128x128xf32, #tpu.memory_space<hbm>> -> memref<1x1x128xf32, #tpu.memory_space<hbm>>
      %dma_start3A_131 = tpu.memref_squeeze %dma_start3A_130 : memref<1x1x128xf32, #tpu.memory_space<hbm>> -> memref<128xf32, #tpu.memory_space<hbm>>
      %dma_start3A_132 = arith.constant 0 : i32
      %dma_start3A_133 = tpu.memref_slice %arg10[%dma_start3A_132] : memref<1024xf32, #tpu.memory_space<vmem>> -> memref<128xf32, #tpu.memory_space<vmem>>
      tpu.enqueue_dma source(%dma_start3A_133 : memref<128xf32, #tpu.memory_space<vmem>>) target(%dma_start3A_131 : memref<128xf32, #tpu.memory_space<hbm>>) target_semaphore(%run_scoped3A_123 : memref<!tpu.dma_semaphore, #tpu.memory_space<semaphore_mem>>)
      %dma_wait3A = arith.constant 0 : i32
      %dma_wait3A_134 = tpu.memref_slice %arg10[%dma_wait3A] : memref<1024xf32, #tpu.memory_space<vmem>> -> memref<128xf32, #tpu.memory_space<vmem>>
      %dma_wait3A_135 = arith.constant 0 : i32
      %dma_wait3A_136 = tpu.memref_slice %arg5[%run_scoped3A, %add3A_101, %dma_wait3A_135] : memref<2x128x128xf32, #tpu.memory_space<hbm>> -> memref<1x1x128xf32, #tpu.memory_space<hbm>>
      %dma_wait3A_137 = tpu.memref_squeeze %dma_wait3A_136 : memref<1x1x128xf32, #tpu.memory_space<hbm>> -> memref<128xf32, #tpu.memory_space<hbm>>
      %dma_wait3A_138 = arith.constant 0 : i32
      %dma_wait3A_139 = tpu.memref_slice %arg5[%run_scoped3A, %add3A_101, %dma_wait3A_138] : memref<2x128x128xf32, #tpu.memory_space<hbm>> -> memref<1x1x128xf32, #tpu.memory_space<hbm>>
      %dma_wait3A_140 = tpu.memref_squeeze %dma_wait3A_139 : memref<1x1x128xf32, #tpu.memory_space<hbm>> -> memref<128xf32, #tpu.memory_space<hbm>>
      %dma_wait3A_141 = arith.constant 0 : i32
      %dma_wait3A_142 = tpu.memref_slice %arg10[%dma_wait3A_141] : memref<1024xf32, #tpu.memory_space<vmem>> -> memref<128xf32, #tpu.memory_space<vmem>>
      tpu.wait_dma2 semaphore(%run_scoped3A_123 : memref<!tpu.dma_semaphore, #tpu.memory_space<semaphore_mem>>) src(%dma_wait3A_142 : memref<128xf32, #tpu.memory_space<vmem>>) dst(%dma_wait3A_140 : memref<128xf32, #tpu.memory_space<hbm>>)
      tpu.yield
    }) : () -> ()
    %add3A_102 = arith.constant 0 : i32
    %add3A_103 = arith.addi %mul3A_2, %add3A_102 : i32
    %run_scoped3A_104 = arith.constant 1 : i32
    "tpu.region"() ({
      %run_scoped3A_123 = tpu.sem_alloc : memref<!tpu.dma_semaphore, #tpu.memory_space<semaphore_mem>>
      %dma_start3A_124 = arith.constant 128 : i32
      %dma_start3A_125 = tpu.memref_slice %arg10[%dma_start3A_124] : memref<1024xf32, #tpu.memory_space<vmem>> -> memref<128xf32, #tpu.memory_space<vmem>>
      %dma_start3A_126 = arith.constant 0 : i32
      %dma_start3A_127 = tpu.memref_slice %arg5[%run_scoped3A_104, %add3A_103, %dma_start3A_126] : memref<2x128x128xf32, #tpu.memory_space<hbm>> -> memref<1x1x128xf32, #tpu.memory_space<hbm>>
      %dma_start3A_128 = tpu.memref_squeeze %dma_start3A_127 : memref<1x1x128xf32, #tpu.memory_space<hbm>> -> memref<128xf32, #tpu.memory_space<hbm>>
      %dma_start3A_129 = arith.constant 0 : i32
      %dma_start3A_130 = tpu.memref_slice %arg5[%run_scoped3A_104, %add3A_103, %dma_start3A_129] : memref<2x128x128xf32, #tpu.memory_space<hbm>> -> memref<1x1x128xf32, #tpu.memory_space<hbm>>
      %dma_start3A_131 = tpu.memref_squeeze %dma_start3A_130 : memref<1x1x128xf32, #tpu.memory_space<hbm>> -> memref<128xf32, #tpu.memory_space<hbm>>
      %dma_start3A_132 = arith.constant 128 : i32
      %dma_start3A_133 = tpu.memref_slice %arg10[%dma_start3A_132] : memref<1024xf32, #tpu.memory_space<vmem>> -> memref<128xf32, #tpu.memory_space<vmem>>
      tpu.enqueue_dma source(%dma_start3A_133 : memref<128xf32, #tpu.memory_space<vmem>>) target(%dma_start3A_131 : memref<128xf32, #tpu.memory_space<hbm>>) target_semaphore(%run_scoped3A_123 : memref<!tpu.dma_semaphore, #tpu.memory_space<semaphore_mem>>)
      %dma_wait3A = arith.constant 128 : i32
      %dma_wait3A_134 = tpu.memref_slice %arg10[%dma_wait3A] : memref<1024xf32, #tpu.memory_space<vmem>> -> memref<128xf32, #tpu.memory_space<vmem>>
      %dma_wait3A_135 = arith.constant 0 : i32
      %dma_wait3A_136 = tpu.memref_slice %arg5[%run_scoped3A_104, %add3A_103, %dma_wait3A_135] : memref<2x128x128xf32, #tpu.memory_space<hbm>> -> memref<1x1x128xf32, #tpu.memory_space<hbm>>
      %dma_wait3A_137 = tpu.memref_squeeze %dma_wait3A_136 : memref<1x1x128xf32, #tpu.memory_space<hbm>> -> memref<128xf32, #tpu.memory_space<hbm>>
      %dma_wait3A_138 = arith.constant 0 : i32
      %dma_wait3A_139 = tpu.memref_slice %arg5[%run_scoped3A_104, %add3A_103, %dma_wait3A_138] : memref<2x128x128xf32, #tpu.memory_space<hbm>> -> memref<1x1x128xf32, #tpu.memory_space<hbm>>
      %dma_wait3A_140 = tpu.memref_squeeze %dma_wait3A_139 : memref<1x1x128xf32, #tpu.memory_space<hbm>> -> memref<128xf32, #tpu.memory_space<hbm>>
      %dma_wait3A_141 = arith.constant 128 : i32
      %dma_wait3A_142 = tpu.memref_slice %arg10[%dma_wait3A_141] : memref<1024xf32, #tpu.memory_space<vmem>> -> memref<128xf32, #tpu.memory_space<vmem>>
      tpu.wait_dma2 semaphore(%run_scoped3A_123 : memref<!tpu.dma_semaphore, #tpu.memory_space<semaphore_mem>>) src(%dma_wait3A_142 : memref<128xf32, #tpu.memory_space<vmem>>) dst(%dma_wait3A_140 : memref<128xf32, #tpu.memory_space<hbm>>)
      tpu.yield
    }) : () -> ()
    %add3A_105 = arith.constant 1 : i32
    %add3A_106 = arith.addi %mul3A_2, %add3A_105 : i32
    %run_scoped3A_107 = arith.constant 0 : i32
    "tpu.region"() ({
      %run_scoped3A_123 = tpu.sem_alloc : memref<!tpu.dma_semaphore, #tpu.memory_space<semaphore_mem>>
      %dma_start3A_124 = arith.constant 256 : i32
      %dma_start3A_125 = tpu.memref_slice %arg10[%dma_start3A_124] : memref<1024xf32, #tpu.memory_space<vmem>> -> memref<128xf32, #tpu.memory_space<vmem>>
      %dma_start3A_126 = arith.constant 0 : i32
      %dma_start3A_127 = tpu.memref_slice %arg5[%run_scoped3A_107, %add3A_106, %dma_start3A_126] : memref<2x128x128xf32, #tpu.memory_space<hbm>> -> memref<1x1x128xf32, #tpu.memory_space<hbm>>
      %dma_start3A_128 = tpu.memref_squeeze %dma_start3A_127 : memref<1x1x128xf32, #tpu.memory_space<hbm>> -> memref<128xf32, #tpu.memory_space<hbm>>
      %dma_start3A_129 = arith.constant 0 : i32
      %dma_start3A_130 = tpu.memref_slice %arg5[%run_scoped3A_107, %add3A_106, %dma_start3A_129] : memref<2x128x128xf32, #tpu.memory_space<hbm>> -> memref<1x1x128xf32, #tpu.memory_space<hbm>>
      %dma_start3A_131 = tpu.memref_squeeze %dma_start3A_130 : memref<1x1x128xf32, #tpu.memory_space<hbm>> -> memref<128xf32, #tpu.memory_space<hbm>>
      %dma_start3A_132 = arith.constant 256 : i32
      %dma_start3A_133 = tpu.memref_slice %arg10[%dma_start3A_132] : memref<1024xf32, #tpu.memory_space<vmem>> -> memref<128xf32, #tpu.memory_space<vmem>>
      tpu.enqueue_dma source(%dma_start3A_133 : memref<128xf32, #tpu.memory_space<vmem>>) target(%dma_start3A_131 : memref<128xf32, #tpu.memory_space<hbm>>) target_semaphore(%run_scoped3A_123 : memref<!tpu.dma_semaphore, #tpu.memory_space<semaphore_mem>>)
      %dma_wait3A = arith.constant 256 : i32
      %dma_wait3A_134 = tpu.memref_slice %arg10[%dma_wait3A] : memref<1024xf32, #tpu.memory_space<vmem>> -> memref<128xf32, #tpu.memory_space<vmem>>
      %dma_wait3A_135 = arith.constant 0 : i32
      %dma_wait3A_136 = tpu.memref_slice %arg5[%run_scoped3A_107, %add3A_106, %dma_wait3A_135] : memref<2x128x128xf32, #tpu.memory_space<hbm>> -> memref<1x1x128xf32, #tpu.memory_space<hbm>>
      %dma_wait3A_137 = tpu.memref_squeeze %dma_wait3A_136 : memref<1x1x128xf32, #tpu.memory_space<hbm>> -> memref<128xf32, #tpu.memory_space<hbm>>
      %dma_wait3A_138 = arith.constant 0 : i32
      %dma_wait3A_139 = tpu.memref_slice %arg5[%run_scoped3A_107, %add3A_106, %dma_wait3A_138] : memref<2x128x128xf32, #tpu.memory_space<hbm>> -> memref<1x1x128xf32, #tpu.memory_space<hbm>>
      %dma_wait3A_140 = tpu.memref_squeeze %dma_wait3A_139 : memref<1x1x128xf32, #tpu.memory_space<hbm>> -> memref<128xf32, #tpu.memory_space<hbm>>
      %dma_wait3A_141 = arith.constant 256 : i32
      %dma_wait3A_142 = tpu.memref_slice %arg10[%dma_wait3A_141] : memref<1024xf32, #tpu.memory_space<vmem>> -> memref<128xf32, #tpu.memory_space<vmem>>
      tpu.wait_dma2 semaphore(%run_scoped3A_123 : memref<!tpu.dma_semaphore, #tpu.memory_space<semaphore_mem>>) src(%dma_wait3A_142 : memref<128xf32, #tpu.memory_space<vmem>>) dst(%dma_wait3A_140 : memref<128xf32, #tpu.memory_space<hbm>>)
      tpu.yield
    }) : () -> ()
    %add3A_108 = arith.constant 1 : i32
    %add3A_109 = arith.addi %mul3A_2, %add3A_108 : i32
    %run_scoped3A_110 = arith.constant 1 : i32
    "tpu.region"() ({
      %run_scoped3A_123 = tpu.sem_alloc : memref<!tpu.dma_semaphore, #tpu.memory_space<semaphore_mem>>
      %dma_start3A_124 = arith.constant 384 : i32
      %dma_start3A_125 = tpu.memref_slice %arg10[%dma_start3A_124] : memref<1024xf32, #tpu.memory_space<vmem>> -> memref<128xf32, #tpu.memory_space<vmem>>
      %dma_start3A_126 = arith.constant 0 : i32
      %dma_start3A_127 = tpu.memref_slice %arg5[%run_scoped3A_110, %add3A_109, %dma_start3A_126] : memref<2x128x128xf32, #tpu.memory_space<hbm>> -> memref<1x1x128xf32, #tpu.memory_space<hbm>>
      %dma_start3A_128 = tpu.memref_squeeze %dma_start3A_127 : memref<1x1x128xf32, #tpu.memory_space<hbm>> -> memref<128xf32, #tpu.memory_space<hbm>>
      %dma_start3A_129 = arith.constant 0 : i32
      %dma_start3A_130 = tpu.memref_slice %arg5[%run_scoped3A_110, %add3A_109, %dma_start3A_129] : memref<2x128x128xf32, #tpu.memory_space<hbm>> -> memref<1x1x128xf32, #tpu.memory_space<hbm>>
      %dma_start3A_131 = tpu.memref_squeeze %dma_start3A_130 : memref<1x1x128xf32, #tpu.memory_space<hbm>> -> memref<128xf32, #tpu.memory_space<hbm>>
      %dma_start3A_132 = arith.constant 384 : i32
      %dma_start3A_133 = tpu.memref_slice %arg10[%dma_start3A_132] : memref<1024xf32, #tpu.memory_space<vmem>> -> memref<128xf32, #tpu.memory_space<vmem>>
      tpu.enqueue_dma source(%dma_start3A_133 : memref<128xf32, #tpu.memory_space<vmem>>) target(%dma_start3A_131 : memref<128xf32, #tpu.memory_space<hbm>>) target_semaphore(%run_scoped3A_123 : memref<!tpu.dma_semaphore, #tpu.memory_space<semaphore_mem>>)
      %dma_wait3A = arith.constant 384 : i32
      %dma_wait3A_134 = tpu.memref_slice %arg10[%dma_wait3A] : memref<1024xf32, #tpu.memory_space<vmem>> -> memref<128xf32, #tpu.memory_space<vmem>>
      %dma_wait3A_135 = arith.constant 0 : i32
      %dma_wait3A_136 = tpu.memref_slice %arg5[%run_scoped3A_110, %add3A_109, %dma_wait3A_135] : memref<2x128x128xf32, #tpu.memory_space<hbm>> -> memref<1x1x128xf32, #tpu.memory_space<hbm>>
      %dma_wait3A_137 = tpu.memref_squeeze %dma_wait3A_136 : memref<1x1x128xf32, #tpu.memory_space<hbm>> -> memref<128xf32, #tpu.memory_space<hbm>>
      %dma_wait3A_138 = arith.constant 0 : i32
      %dma_wait3A_139 = tpu.memref_slice %arg5[%run_scoped3A_110, %add3A_109, %dma_wait3A_138] : memref<2x128x128xf32, #tpu.memory_space<hbm>> -> memref<1x1x128xf32, #tpu.memory_space<hbm>>
      %dma_wait3A_140 = tpu.memref_squeeze %dma_wait3A_139 : memref<1x1x128xf32, #tpu.memory_space<hbm>> -> memref<128xf32, #tpu.memory_space<hbm>>
      %dma_wait3A_141 = arith.constant 384 : i32
      %dma_wait3A_142 = tpu.memref_slice %arg10[%dma_wait3A_141] : memref<1024xf32, #tpu.memory_space<vmem>> -> memref<128xf32, #tpu.memory_space<vmem>>
      tpu.wait_dma2 semaphore(%run_scoped3A_123 : memref<!tpu.dma_semaphore, #tpu.memory_space<semaphore_mem>>) src(%dma_wait3A_142 : memref<128xf32, #tpu.memory_space<vmem>>) dst(%dma_wait3A_140 : memref<128xf32, #tpu.memory_space<hbm>>)
      tpu.yield
    }) : () -> ()
    %add3A_111 = arith.constant 2 : i32
    %add3A_112 = arith.addi %mul3A_2, %add3A_111 : i32
    %run_scoped3A_113 = arith.constant 0 : i32
    "tpu.region"() ({
      %run_scoped3A_123 = tpu.sem_alloc : memref<!tpu.dma_semaphore, #tpu.memory_space<semaphore_mem>>
      %dma_start3A_124 = arith.constant 512 : i32
      %dma_start3A_125 = tpu.memref_slice %arg10[%dma_start3A_124] : memref<1024xf32, #tpu.memory_space<vmem>> -> memref<128xf32, #tpu.memory_space<vmem>>
      %dma_start3A_126 = arith.constant 0 : i32
      %dma_start3A_127 = tpu.memref_slice %arg5[%run_scoped3A_113, %add3A_112, %dma_start3A_126] : memref<2x128x128xf32, #tpu.memory_space<hbm>> -> memref<1x1x128xf32, #tpu.memory_space<hbm>>
      %dma_start3A_128 = tpu.memref_squeeze %dma_start3A_127 : memref<1x1x128xf32, #tpu.memory_space<hbm>> -> memref<128xf32, #tpu.memory_space<hbm>>
      %dma_start3A_129 = arith.constant 0 : i32
      %dma_start3A_130 = tpu.memref_slice %arg5[%run_scoped3A_113, %add3A_112, %dma_start3A_129] : memref<2x128x128xf32, #tpu.memory_space<hbm>> -> memref<1x1x128xf32, #tpu.memory_space<hbm>>
      %dma_start3A_131 = tpu.memref_squeeze %dma_start3A_130 : memref<1x1x128xf32, #tpu.memory_space<hbm>> -> memref<128xf32, #tpu.memory_space<hbm>>
      %dma_start3A_132 = arith.constant 512 : i32
      %dma_start3A_133 = tpu.memref_slice %arg10[%dma_start3A_132] : memref<1024xf32, #tpu.memory_space<vmem>> -> memref<128xf32, #tpu.memory_space<vmem>>
      tpu.enqueue_dma source(%dma_start3A_133 : memref<128xf32, #tpu.memory_space<vmem>>) target(%dma_start3A_131 : memref<128xf32, #tpu.memory_space<hbm>>) target_semaphore(%run_scoped3A_123 : memref<!tpu.dma_semaphore, #tpu.memory_space<semaphore_mem>>)
      %dma_wait3A = arith.constant 512 : i32
      %dma_wait3A_134 = tpu.memref_slice %arg10[%dma_wait3A] : memref<1024xf32, #tpu.memory_space<vmem>> -> memref<128xf32, #tpu.memory_space<vmem>>
      %dma_wait3A_135 = arith.constant 0 : i32
      %dma_wait3A_136 = tpu.memref_slice %arg5[%run_scoped3A_113, %add3A_112, %dma_wait3A_135] : memref<2x128x128xf32, #tpu.memory_space<hbm>> -> memref<1x1x128xf32, #tpu.memory_space<hbm>>
      %dma_wait3A_137 = tpu.memref_squeeze %dma_wait3A_136 : memref<1x1x128xf32, #tpu.memory_space<hbm>> -> memref<128xf32, #tpu.memory_space<hbm>>
      %dma_wait3A_138 = arith.constant 0 : i32
      %dma_wait3A_139 = tpu.memref_slice %arg5[%run_scoped3A_113, %add3A_112, %dma_wait3A_138] : memref<2x128x128xf32, #tpu.memory_space<hbm>> -> memref<1x1x128xf32, #tpu.memory_space<hbm>>
      %dma_wait3A_140 = tpu.memref_squeeze %dma_wait3A_139 : memref<1x1x128xf32, #tpu.memory_space<hbm>> -> memref<128xf32, #tpu.memory_space<hbm>>
      %dma_wait3A_141 = arith.constant 512 : i32
      %dma_wait3A_142 = tpu.memref_slice %arg10[%dma_wait3A_141] : memref<1024xf32, #tpu.memory_space<vmem>> -> memref<128xf32, #tpu.memory_space<vmem>>
      tpu.wait_dma2 semaphore(%run_scoped3A_123 : memref<!tpu.dma_semaphore, #tpu.memory_space<semaphore_mem>>) src(%dma_wait3A_142 : memref<128xf32, #tpu.memory_space<vmem>>) dst(%dma_wait3A_140 : memref<128xf32, #tpu.memory_space<hbm>>)
      tpu.yield
    }) : () -> ()
    %add3A_114 = arith.constant 2 : i32
    %add3A_115 = arith.addi %mul3A_2, %add3A_114 : i32
    %run_scoped3A_116 = arith.constant 1 : i32
    "tpu.region"() ({
      %run_scoped3A_123 = tpu.sem_alloc : memref<!tpu.dma_semaphore, #tpu.memory_space<semaphore_mem>>
      %dma_start3A_124 = arith.constant 640 : i32
      %dma_start3A_125 = tpu.memref_slice %arg10[%dma_start3A_124] : memref<1024xf32, #tpu.memory_space<vmem>> -> memref<128xf32, #tpu.memory_space<vmem>>
      %dma_start3A_126 = arith.constant 0 : i32
      %dma_start3A_127 = tpu.memref_slice %arg5[%run_scoped3A_116, %add3A_115, %dma_start3A_126] : memref<2x128x128xf32, #tpu.memory_space<hbm>> -> memref<1x1x128xf32, #tpu.memory_space<hbm>>
      %dma_start3A_128 = tpu.memref_squeeze %dma_start3A_127 : memref<1x1x128xf32, #tpu.memory_space<hbm>> -> memref<128xf32, #tpu.memory_space<hbm>>
      %dma_start3A_129 = arith.constant 0 : i32
      %dma_start3A_130 = tpu.memref_slice %arg5[%run_scoped3A_116, %add3A_115, %dma_start3A_129] : memref<2x128x128xf32, #tpu.memory_space<hbm>> -> memref<1x1x128xf32, #tpu.memory_space<hbm>>
      %dma_start3A_131 = tpu.memref_squeeze %dma_start3A_130 : memref<1x1x128xf32, #tpu.memory_space<hbm>> -> memref<128xf32, #tpu.memory_space<hbm>>
      %dma_start3A_132 = arith.constant 640 : i32
      %dma_start3A_133 = tpu.memref_slice %arg10[%dma_start3A_132] : memref<1024xf32, #tpu.memory_space<vmem>> -> memref<128xf32, #tpu.memory_space<vmem>>
      tpu.enqueue_dma source(%dma_start3A_133 : memref<128xf32, #tpu.memory_space<vmem>>) target(%dma_start3A_131 : memref<128xf32, #tpu.memory_space<hbm>>) target_semaphore(%run_scoped3A_123 : memref<!tpu.dma_semaphore, #tpu.memory_space<semaphore_mem>>)
      %dma_wait3A = arith.constant 640 : i32
      %dma_wait3A_134 = tpu.memref_slice %arg10[%dma_wait3A] : memref<1024xf32, #tpu.memory_space<vmem>> -> memref<128xf32, #tpu.memory_space<vmem>>
      %dma_wait3A_135 = arith.constant 0 : i32
      %dma_wait3A_136 = tpu.memref_slice %arg5[%run_scoped3A_116, %add3A_115, %dma_wait3A_135] : memref<2x128x128xf32, #tpu.memory_space<hbm>> -> memref<1x1x128xf32, #tpu.memory_space<hbm>>
      %dma_wait3A_137 = tpu.memref_squeeze %dma_wait3A_136 : memref<1x1x128xf32, #tpu.memory_space<hbm>> -> memref<128xf32, #tpu.memory_space<hbm>>
      %dma_wait3A_138 = arith.constant 0 : i32
      %dma_wait3A_139 = tpu.memref_slice %arg5[%run_scoped3A_116, %add3A_115, %dma_wait3A_138] : memref<2x128x128xf32, #tpu.memory_space<hbm>> -> memref<1x1x128xf32, #tpu.memory_space<hbm>>
      %dma_wait3A_140 = tpu.memref_squeeze %dma_wait3A_139 : memref<1x1x128xf32, #tpu.memory_space<hbm>> -> memref<128xf32, #tpu.memory_space<hbm>>
      %dma_wait3A_141 = arith.constant 640 : i32
      %dma_wait3A_142 = tpu.memref_slice %arg10[%dma_wait3A_141] : memref<1024xf32, #tpu.memory_space<vmem>> -> memref<128xf32, #tpu.memory_space<vmem>>
      tpu.wait_dma2 semaphore(%run_scoped3A_123 : memref<!tpu.dma_semaphore, #tpu.memory_space<semaphore_mem>>) src(%dma_wait3A_142 : memref<128xf32, #tpu.memory_space<vmem>>) dst(%dma_wait3A_140 : memref<128xf32, #tpu.memory_space<hbm>>)
      tpu.yield
    }) : () -> ()
    %add3A_117 = arith.constant 3 : i32
    %add3A_118 = arith.addi %mul3A_2, %add3A_117 : i32
    %run_scoped3A_119 = arith.constant 0 : i32
    "tpu.region"() ({
      %run_scoped3A_123 = tpu.sem_alloc : memref<!tpu.dma_semaphore, #tpu.memory_space<semaphore_mem>>
      %dma_start3A_124 = arith.constant 768 : i32
      %dma_start3A_125 = tpu.memref_slice %arg10[%dma_start3A_124] : memref<1024xf32, #tpu.memory_space<vmem>> -> memref<128xf32, #tpu.memory_space<vmem>>
      %dma_start3A_126 = arith.constant 0 : i32
      %dma_start3A_127 = tpu.memref_slice %arg5[%run_scoped3A_119, %add3A_118, %dma_start3A_126] : memref<2x128x128xf32, #tpu.memory_space<hbm>> -> memref<1x1x128xf32, #tpu.memory_space<hbm>>
      %dma_start3A_128 = tpu.memref_squeeze %dma_start3A_127 : memref<1x1x128xf32, #tpu.memory_space<hbm>> -> memref<128xf32, #tpu.memory_space<hbm>>
      %dma_start3A_129 = arith.constant 0 : i32
      %dma_start3A_130 = tpu.memref_slice %arg5[%run_scoped3A_119, %add3A_118, %dma_start3A_129] : memref<2x128x128xf32, #tpu.memory_space<hbm>> -> memref<1x1x128xf32, #tpu.memory_space<hbm>>
      %dma_start3A_131 = tpu.memref_squeeze %dma_start3A_130 : memref<1x1x128xf32, #tpu.memory_space<hbm>> -> memref<128xf32, #tpu.memory_space<hbm>>
      %dma_start3A_132 = arith.constant 768 : i32
      %dma_start3A_133 = tpu.memref_slice %arg10[%dma_start3A_132] : memref<1024xf32, #tpu.memory_space<vmem>> -> memref<128xf32, #tpu.memory_space<vmem>>
      tpu.enqueue_dma source(%dma_start3A_133 : memref<128xf32, #tpu.memory_space<vmem>>) target(%dma_start3A_131 : memref<128xf32, #tpu.memory_space<hbm>>) target_semaphore(%run_scoped3A_123 : memref<!tpu.dma_semaphore, #tpu.memory_space<semaphore_mem>>)
      %dma_wait3A = arith.constant 768 : i32
      %dma_wait3A_134 = tpu.memref_slice %arg10[%dma_wait3A] : memref<1024xf32, #tpu.memory_space<vmem>> -> memref<128xf32, #tpu.memory_space<vmem>>
      %dma_wait3A_135 = arith.constant 0 : i32
      %dma_wait3A_136 = tpu.memref_slice %arg5[%run_scoped3A_119, %add3A_118, %dma_wait3A_135] : memref<2x128x128xf32, #tpu.memory_space<hbm>> -> memref<1x1x128xf32, #tpu.memory_space<hbm>>
      %dma_wait3A_137 = tpu.memref_squeeze %dma_wait3A_136 : memref<1x1x128xf32, #tpu.memory_space<hbm>> -> memref<128xf32, #tpu.memory_space<hbm>>
      %dma_wait3A_138 = arith.constant 0 : i32
      %dma_wait3A_139 = tpu.memref_slice %arg5[%run_scoped3A_119, %add3A_118, %dma_wait3A_138] : memref<2x128x128xf32, #tpu.memory_space<hbm>> -> memref<1x1x128xf32, #tpu.memory_space<hbm>>
      %dma_wait3A_140 = tpu.memref_squeeze %dma_wait3A_139 : memref<1x1x128xf32, #tpu.memory_space<hbm>> -> memref<128xf32, #tpu.memory_space<hbm>>
      %dma_wait3A_141 = arith.constant 768 : i32
      %dma_wait3A_142 = tpu.memref_slice %arg10[%dma_wait3A_141] : memref<1024xf32, #tpu.memory_space<vmem>> -> memref<128xf32, #tpu.memory_space<vmem>>
      tpu.wait_dma2 semaphore(%run_scoped3A_123 : memref<!tpu.dma_semaphore, #tpu.memory_space<semaphore_mem>>) src(%dma_wait3A_142 : memref<128xf32, #tpu.memory_space<vmem>>) dst(%dma_wait3A_140 : memref<128xf32, #tpu.memory_space<hbm>>)
      tpu.yield
    }) : () -> ()
    %add3A_120 = arith.constant 3 : i32
    %add3A_121 = arith.addi %mul3A_2, %add3A_120 : i32
    %run_scoped3A_122 = arith.constant 1 : i32
    "tpu.region"() ({
      %run_scoped3A_123 = tpu.sem_alloc : memref<!tpu.dma_semaphore, #tpu.memory_space<semaphore_mem>>
      %dma_start3A_124 = arith.constant 896 : i32
      %dma_start3A_125 = tpu.memref_slice %arg10[%dma_start3A_124] : memref<1024xf32, #tpu.memory_space<vmem>> -> memref<128xf32, #tpu.memory_space<vmem>>
      %dma_start3A_126 = arith.constant 0 : i32
      %dma_start3A_127 = tpu.memref_slice %arg5[%run_scoped3A_122, %add3A_121, %dma_start3A_126] : memref<2x128x128xf32, #tpu.memory_space<hbm>> -> memref<1x1x128xf32, #tpu.memory_space<hbm>>
      %dma_start3A_128 = tpu.memref_squeeze %dma_start3A_127 : memref<1x1x128xf32, #tpu.memory_space<hbm>> -> memref<128xf32, #tpu.memory_space<hbm>>
      %dma_start3A_129 = arith.constant 0 : i32
      %dma_start3A_130 = tpu.memref_slice %arg5[%run_scoped3A_122, %add3A_121, %dma_start3A_129] : memref<2x128x128xf32, #tpu.memory_space<hbm>> -> memref<1x1x128xf32, #tpu.memory_space<hbm>>
      %dma_start3A_131 = tpu.memref_squeeze %dma_start3A_130 : memref<1x1x128xf32, #tpu.memory_space<hbm>> -> memref<128xf32, #tpu.memory_space<hbm>>
      %dma_start3A_132 = arith.constant 896 : i32
      %dma_start3A_133 = tpu.memref_slice %arg10[%dma_start3A_132] : memref<1024xf32, #tpu.memory_space<vmem>> -> memref<128xf32, #tpu.memory_space<vmem>>
      tpu.enqueue_dma source(%dma_start3A_133 : memref<128xf32, #tpu.memory_space<vmem>>) target(%dma_start3A_131 : memref<128xf32, #tpu.memory_space<hbm>>) target_semaphore(%run_scoped3A_123 : memref<!tpu.dma_semaphore, #tpu.memory_space<semaphore_mem>>)
      %dma_wait3A = arith.constant 896 : i32
      %dma_wait3A_134 = tpu.memref_slice %arg10[%dma_wait3A] : memref<1024xf32, #tpu.memory_space<vmem>> -> memref<128xf32, #tpu.memory_space<vmem>>
      %dma_wait3A_135 = arith.constant 0 : i32
      %dma_wait3A_136 = tpu.memref_slice %arg5[%run_scoped3A_122, %add3A_121, %dma_wait3A_135] : memref<2x128x128xf32, #tpu.memory_space<hbm>> -> memref<1x1x128xf32, #tpu.memory_space<hbm>>
      %dma_wait3A_137 = tpu.memref_squeeze %dma_wait3A_136 : memref<1x1x128xf32, #tpu.memory_space<hbm>> -> memref<128xf32, #tpu.memory_space<hbm>>
      %dma_wait3A_138 = arith.constant 0 : i32
      %dma_wait3A_139 = tpu.memref_slice %arg5[%run_scoped3A_122, %add3A_121, %dma_wait3A_138] : memref<2x128x128xf32, #tpu.memory_space<hbm>> -> memref<1x1x128xf32, #tpu.memory_space<hbm>>
      %dma_wait3A_140 = tpu.memref_squeeze %dma_wait3A_139 : memref<1x1x128xf32, #tpu.memory_space<hbm>> -> memref<128xf32, #tpu.memory_space<hbm>>
      %dma_wait3A_141 = arith.constant 896 : i32
      %dma_wait3A_142 = tpu.memref_slice %arg10[%dma_wait3A_141] : memref<1024xf32, #tpu.memory_space<vmem>> -> memref<128xf32, #tpu.memory_space<vmem>>
      tpu.wait_dma2 semaphore(%run_scoped3A_123 : memref<!tpu.dma_semaphore, #tpu.memory_space<semaphore_mem>>) src(%dma_wait3A_142 : memref<128xf32, #tpu.memory_space<vmem>>) dst(%dma_wait3A_140 : memref<128xf32, #tpu.memory_space<hbm>>)
      tpu.yield
    }) : () -> ()
    return
  }
}

module attributes {stable_mosaic.version = 14 : i64} {
  func.func @_tc_body(%arg0: i32, %arg1: i32, %arg2: memref<128x128x128xf32, #tpu.memory_space<vmem>>, %arg3: memref<128x128xf32, #tpu.memory_space<vmem>>, %arg4: memref<1x128xf32, #tpu.memory_space<vmem>>, %arg5: memref<1x128x128xf32, #tpu.memory_space<vmem>>, %arg6: memref<1x128x128xf32, #tpu.memory_space<vmem>>) attributes {dimension_semantics = [#tpu.dimension_semantics<arbitrary>, #tpu.dimension_semantics<arbitrary>], iteration_bounds = array<i64: 2, 5>, scalar_prefetch = 0 : i64, scratch_operands = 0 : i64, tpu.core_type = #tpu.core_type<tc>, window_params = [{transform_indices = @transform_0, window_bounds = array<i64: 128, 128, 128>}, {transform_indices = @transform_1, window_bounds = array<i64: 128, 128>}, {transform_indices = @transform_2, window_bounds = array<i64: 1, 128>}, {transform_indices = @transform_3, window_bounds = array<i64: 1, 128, 128>}, {transform_indices = @transform_4, window_bounds = array<i64: 1, 128, 128>}]} {
    %get3A = arith.constant 0 : index
    %get3A_0 = arith.constant 0 : index
    %get3A_1 = arith.constant 0 : index
    %get3A_2 = vector.load %arg2[%get3A, %get3A_0, %get3A_1] : memref<128x128x128xf32, #tpu.memory_space<vmem>>, vector<128x128x128xf32>
    %get3A_3 = arith.constant 0 : index
    %get3A_4 = arith.constant 0 : index
    %get3A_5 = vector.load %arg3[%get3A_3, %get3A_4] : memref<128x128xf32, #tpu.memory_space<vmem>>, vector<128x128xf32>
    %get3A_6 = arith.constant 0 : index
    %get3A_7 = arith.constant 0 : index
    %get3A_8 = vector.load %arg4[%get3A_6, %get3A_7] : memref<1x128xf32, #tpu.memory_space<vmem>>, vector<1x128xf32>
    %mul3A = vector.broadcast %get3A_8 : vector<1x128xf32> to vector<128x128xf32>
    %mul3A_9 = arith.mulf %get3A_5, %mul3A : vector<128x128xf32>
    %broadcast_in_dim3A = vector.shape_cast %mul3A_9 : vector<128x128xf32> to vector<128x128x1xf32>
    %mul3A_10 = vector.broadcast %broadcast_in_dim3A : vector<128x128x1xf32> to vector<128x128x128xf32>
    %mul3A_11 = arith.mulf %get3A_2, %mul3A_10 : vector<128x128x128xf32>
    %reduce_sum3A = arith.constant dense<0.000000e+00> : vector<128x128xf32>
    %reduce_sum3A_12 = vector.multi_reduction <add>, %mul3A_11, %reduce_sum3A [1] : vector<128x128x128xf32> to vector<128x128xf32>
    %eq3A = arith.constant 0 : i32
    %eq3A_13 = arith.cmpi eq, %arg1, %eq3A : i32
    %convert_element_type3A = arith.extui %eq3A_13 : i1 to i32
    %cond3A = arith.constant 0 : i32
    %cond3A_14 = arith.cmpi ne, %convert_element_type3A, %cond3A : i32
    scf.if %cond3A_14 {
      %get3A_19 = arith.constant 0 : index
      %get3A_20 = arith.constant 0 : index
      %get3A_21 = arith.constant 0 : index
      %get3A_22 = vector.load %arg5[%get3A_19, %get3A_20, %get3A_21] : memref<1x128x128xf32, #tpu.memory_space<vmem>>, vector<1x128x128xf32>
      %broadcast_in_dim3A_23 = vector.shape_cast %reduce_sum3A_12 : vector<128x128xf32> to vector<1x128x128xf32>
      %add3A = arith.addf %get3A_22, %broadcast_in_dim3A_23 : vector<1x128x128xf32>
      %swap3A = arith.constant 0 : index
      %swap3A_24 = arith.constant 0 : index
      %swap3A_25 = arith.constant 0 : index
      %swap3A_26 = vector.load %arg6[%swap3A, %swap3A_24, %swap3A_25] : memref<1x128x128xf32, #tpu.memory_space<vmem>>, vector<1x128x128xf32>
      tpu.vector_store %arg6[%swap3A, %swap3A_24, %swap3A_25], %add3A {strides = array<i32>} : memref<1x128x128xf32, #tpu.memory_space<vmem>>, vector<1x128x128xf32>,
    } else {
    }
    %ne3A = arith.constant 0 : i32
    %ne3A_15 = arith.cmpi ne, %arg1, %ne3A : i32
    %convert_element_type3A_16 = arith.extui %ne3A_15 : i1 to i32
    %cond3A_17 = arith.constant 0 : i32
    %cond3A_18 = arith.cmpi ne, %convert_element_type3A_16, %cond3A_17 : i32
    scf.if %cond3A_18 {
      %get3A_19 = arith.constant 0 : index
      %get3A_20 = arith.constant 0 : index
      %get3A_21 = arith.constant 0 : index
      %get3A_22 = vector.load %arg6[%get3A_19, %get3A_20, %get3A_21] : memref<1x128x128xf32, #tpu.memory_space<vmem>>, vector<1x128x128xf32>
      %broadcast_in_dim3A_23 = vector.shape_cast %reduce_sum3A_12 : vector<128x128xf32> to vector<1x128x128xf32>
      %add3A = arith.addf %get3A_22, %broadcast_in_dim3A_23 : vector<1x128x128xf32>
      %swap3A = arith.constant 0 : index
      %swap3A_24 = arith.constant 0 : index
      %swap3A_25 = arith.constant 0 : index
      %swap3A_26 = vector.load %arg6[%swap3A, %swap3A_24, %swap3A_25] : memref<1x128x128xf32, #tpu.memory_space<vmem>>, vector<1x128x128xf32>
      tpu.vector_store %arg6[%swap3A, %swap3A_24, %swap3A_25], %add3A {strides = array<i32>} : memref<1x128x128xf32, #tpu.memory_space<vmem>>, vector<1x128x128xf32>,
    } else {
    }
    return
  }
  func.func @transform_0(%arg0: i32, %arg1: i32) -> (i32, i32, i32) {
    %mul3A = arith.constant 8 : i32
    %mul3A_0 = arith.muli %arg0, %mul3A : i32
    %add3A = arith.constant 3 : i32
    %add3A_1 = arith.addi %mul3A_0, %add3A : i32
    %add3A_2 = arith.addi %add3A_1, %arg1 : i32
    %c0_i32 = arith.constant 0 : i32
    %c0_i32_3 = arith.constant 0 : i32
    %c0_i32_4 = arith.constant 0 : i32
    return %c0_i32, %add3A_2, %c0_i32_3 : i32, i32, i32
  }
  func.func @transform_1(%arg0: i32, %arg1: i32) -> (i32, i32) {
    %mul3A = arith.constant 8 : i32
    %mul3A_0 = arith.muli %arg0, %mul3A : i32
    %add3A = arith.constant 3 : i32
    %add3A_1 = arith.addi %mul3A_0, %add3A : i32
    %add3A_2 = arith.addi %add3A_1, %arg1 : i32
    %c0_i32 = arith.constant 0 : i32
    %c0_i32_3 = arith.constant 0 : i32
    return %c0_i32, %add3A_2 : i32, i32
  }
  func.func @transform_2(%arg0: i32, %arg1: i32) -> (i32, i32) {
    %mul3A = arith.constant 8 : i32
    %mul3A_0 = arith.muli %arg0, %mul3A : i32
    %add3A = arith.constant 3 : i32
    %add3A_1 = arith.addi %mul3A_0, %add3A : i32
    %add3A_2 = arith.addi %add3A_1, %arg1 : i32
    %c0_i32 = arith.constant 0 : i32
    %c0_i32_3 = arith.constant 0 : i32
    return %c0_i32, %add3A_2 : i32, i32
  }
  func.func @transform_3(%arg0: i32, %arg1: i32) -> (i32, i32, i32) {
    %c0_i32 = arith.constant 0 : i32
    %c0_i32_0 = arith.constant 0 : i32
    %c0_i32_1 = arith.constant 0 : i32
    return %arg0, %c0_i32, %c0_i32_0 : i32, i32, i32
  }
  func.func @transform_4(%arg0: i32, %arg1: i32) -> (i32, i32, i32) {
    %c0_i32 = arith.constant 0 : i32
    %c0_i32_0 = arith.constant 0 : i32
    %c0_i32_1 = arith.constant 0 : i32
    return %arg0, %c0_i32, %c0_i32_0 : i32, i32, i32
  }
}

</mosaic_0001>

<sc_bundles>
// kernel: kernel.4.cloned.1.call-start
scs
__scs_entry_jumppad:
0x0: {  	(pc) =	sbr.rel $0x88, $3  }
0x1: {  	(tag) =	ssettag $0x0;
	lr =	simm.s32 $0x1  }
0x2: {  	[smem:$0x3F9D] =	sst lr;
	_ =	strace $0xD0000000  }
0x3: {  	_ = 	snop  }
0x4: {  	_ = 	snop  }
0x5: {  	_ = 	snop  }
0x6: {  	_ = 	snop  }
0x7: {  	_ = 	snop  }
__scs_overlays_trampoline_lowered:
0x8: {  	[smem:$0x3FAC] =	sst s0  }
0x9: {  	[smem:$0x3FAD] =	sst s1  }
0xa: {  	[smem:$0x3FAE] =	sst s2  }
0xb: {  	[smem:$0x3FAF] =	sst s3  }
0xc: {  	[smem:$0x3FB0] =	sst s4  }
0xd: {  	[smem:$0x3FB1] =	sst s5  }
0xe: {  	[smem:$0x3FB2] =	sst s6  }
0xf: {  	[smem:$0x3FB3] =	sst s7  }
0x10: {  	[smem:$0x3FB4] =	sst s8  }
0x11: {  	[smem:$0x3FB5] =	sst s9;
	s0 =	simm.s32 @!p0 $0x0  }
0x12: {  	s1 =	sld [smem:$0x3F9B];
	s0 =	simm.s32 @p0 $0x1  }
0x13: {  	[smem:$0x3FB6] =	sst s0;
	s0 =	simm.s32 @!p1 $0x0  }
0x14: {  	s2 =	sld [smem:$0x3F9A];
	s0 =	simm.s32 @p1 $0x1  }
0x15: {  	[smem:$0x3FB7] =	sst s0;
	s0 =	simm.s32 @!p2 $0x0  }
0x16: {  	s3 =	sld [smem:$0x3FDB];
	s0 =	simm.s32 @p2 $0x1  }
0x17: {  	s4 =	simm.s32 $0x1BF5;
	[smem:$0x3FB9] =	sst s0  }
0x18: {  	s0 =	sld [smem:$0x3F9C];
	_ =	swait.ge [sflag:s4], $0x0  }
0x19: {  	s7 =	sld [smem:$0x3F9D]  }
0x1a: {  	s8 =	sadd.s32 $0xFFFFE003, lr  }
0x1b: {  	s9 =	sadd.s32 $0xFFFFFEF7, lr;
	s5 =	simm.s32 $0xFFFFFFFF;
	p2 =	slt.u32 s8, $0xFFFFF086  }
0x1c: {  	p1 =	slt.u32 s9, $0xF7A;
	s5 =	simm.s32 @!p2 $0x0  }
0x1d: {  	s5 =	simm.s32 @p1 $0x1;
	p0 =	seq.s32 s7, s2  }
0x1e: {  	s7 =	smul.u32 @!p0 $0xF7A, s2;
	p2 =	seq.s32 @!p0 s5, $0x0  }
0x1f: {  	s9 =	smul.u32 $0xF7A, s1;
	s8 =	simm.s32 @!p0 $0x1BF5;
	p2 =	por !p2, p0  }
0x20: {  	[sflag:s8] =	ssyncset.s32 @!p0 $0xFFFFF086;
	s6 =	sadd.s32 @!p0 s3, s7;
	s7 =	simm.s32 @!p0 $0x108  }
0x21: {  	s3 =	sadd.s32 s3, s9;
	s6 =	sadd.s32 @!p0 $0x88, s6;
	s7 =	simm.s32 @p2 $0x1082  }
0x22: {  	[simem:s7], [sflag:s8] =	dma.local @!p0 [hbm:s6], $0xF7A  }
0x23: {  	s9 =	sor.u32 $0xD0000000, s2;
	s6 =	simm.s32 $0x108;
	_ =	swait.ge @!p0 [sflag:s8], $0x0  }
0x24: {  	s3 =	sadd.s32 $0x88, s3;
	s6 =	simm.s32 @!p1 $0x1082;
	[sflag:s4] =	ssyncset.s32 $0xFFFFF086  }
0x25: {  	[simem:s6], [sflag:s4] =	dma.local [hbm:s3], $0xF7A  }
0x26: {  	[smem:$0x3F9D] =	sst s1;
	(tag) =	ssettag s2;
	_ =	strace s9  }
0x27: {  	s1 =	sld [smem:$0x3FAD]  }
0x28: {  	s2 =	sld [smem:$0x3FAE]  }
0x29: {  	s4 =	sld [smem:$0x3FB0]  }
0x2a: {  	p0 =	seq.s32 s5, $0x0;
	s5 =	sld [smem:$0x3FB1]  }
0x2b: {  	s6 =	sld [smem:$0x3FB2]  }
0x2c: {  	s7 =	sld [smem:$0x3FB3]  }
0x2d: {  	s3 =	simm.s32 $0x108;
	s8 =	sld [smem:$0x3FB4]  }
0x2e: {  	s3 =	simm.s32 @!p0 $0x1082;
	s9 =	sld [smem:$0x3FB5]  }
0x2f: {  	lr =	sadd.s32 s0, s3;
	s0 =	sld [smem:$0x3FAC]  }
0x30: {  	s3 =	sld [smem:$0x3FAF]  }
0x31: {  	[smem:$0x3FB8] =	sst s10  }
0x32: {  	s10 =	sld [smem:$0x3FB6];
	_ =	sdelay $0x3  }
0x33: {  	p0 =	seq.s32 s10, $0x1;
	s10 =	sld [smem:$0x3FB8];
	_ =	sdelay $0x3  }
0x34: {  	[smem:$0x3FB8] =	sst s10  }
0x35: {  	s10 =	sld [smem:$0x3FB7];
	_ =	sdelay $0x3  }
0x36: {  	p1 =	seq.s32 s10, $0x1;
	s10 =	sld [smem:$0x3FB8];
	_ =	sdelay $0x3  }
0x37: {  	[smem:$0x3FB8] =	sst s10  }
0x38: {  	s10 =	sld [smem:$0x3FB9]  }
0x39: {  	_ = 	snop;
	(pc) =	sbr.ind lr, $3  }
0x3a: {  	_ = 	snop  }
0x3b: {  	_ = 	snop  }
0x3c: {  	p2 =	seq.s32 s10, $0x1;
	s10 =	sld [smem:$0x3FB8]  }
0x3d: {  	_ =	shalt  }
0x3e: {  	_ =	shalt  }
0x3f: {  	_ =	shalt  }
0x40: {  	_ =	shalt  }
0x41: {  	_ =	shalt  }
0x42: {  	_ =	shalt  }
0x43: {  	_ =	shalt  }
0x44: {  	_ =	shalt  }
0x45: {  	_ =	shalt  }
0x46: {  	_ =	shalt  }
0x47: {  	_ =	shalt  }
0x48: {  	_ =	shalt  }
0x49: {  	_ =	shalt  }
0x4a: {  	_ =	shalt  }
0x4b: {  	_ =	shalt  }
0x4c: {  	_ =	shalt  }
0x4d: {  	_ =	shalt  }
0x4e: {  	_ =	shalt  }
0x4f: {  	_ =	shalt  }
0x50: {  	_ =	shalt  }
0x51: {  	_ =	shalt  }
0x52: {  	_ =	shalt  }
0x53: {  	_ =	shalt  }
0x54: {  	_ =	shalt  }
0x55: {  	_ =	shalt  }
0x56: {  	_ =	shalt  }
0x57: {  	_ =	shalt  }
0x58: {  	_ =	shalt  }
0x59: {  	_ =	shalt  }
0x5a: {  	_ =	shalt  }
0x5b: {  	_ =	shalt  }
0x5c: {  	_ =	shalt  }
0x5d: {  	_ =	shalt  }
0x5e: {  	_ =	shalt  }
0x5f: {  	_ =	shalt  }
0x60: {  	_ =	shalt  }
0x61: {  	_ =	shalt  }
0x62: {  	_ =	shalt  }
0x63: {  	_ =	shalt  }
0x64: {  	_ =	shalt  }
0x65: {  	_ =	shalt  }
0x66: {  	_ =	shalt  }
0x67: {  	_ =	shalt  }
0x68: {  	_ =	shalt  }
0x69: {  	_ =	shalt  }
0x6a: {  	_ =	shalt  }
0x6b: {  	_ =	shalt  }
0x6c: {  	_ =	shalt  }
0x6d: {  	_ =	shalt  }
0x6e: {  	_ =	shalt  }
0x6f: {  	_ =	shalt  }
0x70: {  	_ =	shalt  }
0x71: {  	_ =	shalt  }
0x72: {  	_ =	shalt  }
0x73: {  	_ =	shalt  }
0x74: {  	_ =	shalt  }
0x75: {  	_ =	shalt  }
0x76: {  	_ =	shalt  }
0x77: {  	_ =	shalt  }
0x78: {  	_ =	shalt  }
0x79: {  	_ =	shalt  }
0x7a: {  	_ =	shalt  }
0x7b: {  	_ =	shalt  }
0x7c: {  	_ =	shalt  }
0x7d: {  	_ =	shalt  }
0x7e: {  	_ =	shalt  }
0x7f: {  	_ =	shalt  }
0x80: {  	_ =	shalt  }
0x81: {  	_ =	shalt  }
0x82: {  	_ =	shalt  }
0x83: {  	_ =	shalt  }
0x84: {  	_ =	shalt  }
0x85: {  	_ =	shalt  }
0x86: {  	_ =	shalt  }
0x87: {  	_ =	shalt  }
.Lfunc_end0:
.L_simem_size_0:
called_computation_lowered:
.L_overlay_start_0:
0x88: {  	s2 =	sld [smem:$0x3FD9]  }
0x89: {  	s3 =	sld [smem:$0x3FFE];
	_ =	sdelay $0x1  }
0x8a: {  	s1 =	srdreg.scid  }
0x8b: {  	s0 =	sand.u32 $0x1, s1  }
0x8c: {  	s17 =	sshll.u32 s0, $0xA;
	s2 =	sadd.s32 s3, s2  }
0x8d: {  	s2 =	sadd.s32 s2, s17  }
0x8e: {  	[smem:$0x3FC4] =	sst s2  }
0x8f: {  	_ = 	snop  }
0x90: {  	s2 =	sld [smem:$0x3FC9]  }
0x91: {  	s18 =	sld [smem:$0x3FC7]  }
0x92: {  	s4 =	sld [smem:$0x3FD0];
	(tm) =	ssettm $0x1  }
0x93: {  	s5 =	sld [smem:$0x3FFB];
	_ =	sdelay $0x3  }
0x94: {  	_ =	strace s5  }
0x95: {  	s5 =	sld [smem:$0x3FFC];
	_ =	sdelay $0x3  }
0x96: {  	_ =	strace s5  }
0x97: {  	s5 =	sld [smem:$0x3FFD];
	_ =	sdelay $0x3  }
0x98: {  	_ =	strace s5  }
0x99: {  	_ =	strace $0x8FFFFFFF  }
0x9a: {  	s19 =	sld [smem:$0x3FDB];
	_ =	sdelay $0x1  }
0x9b: {  	s6 =	simm.s32 $_scs_section_size  }
0x9c: {  	s7 =	simm.s32 $_size__tile_overlayer_lowered;
	s8 =	simm.s32 $_tile_overlayer_lowered  }
0x9d: {  	s22 =	simm.s32 $0x1BFF;
	s21 =	sshll.u32 s8, $0x1;
	s5 =	sadd.s32 s6, s19  }
0x9e: {  	s9 =	simm.s32 $0x0;
	s20 =	sshll.u32 s7, $0x1;
	s7 =	sadd.s32 s21, s5  }
0x9f: {  	[timem:s9], [sflag:s22] =	dma.local [hbm:s7], s20  }
0xa0: {  	_ =	swait.ge [sflag:s22], s20  }
0xa1: {  	s6 =	ssub.s32 $0x0, s20;
	[sflag:s22] =	ssyncset.done $0x0  }
0xa2: {  	[sflag:s22] =	ssyncadd.s32 s6;
	_ =	sdelay $0x1  }
0xa3: {  	s23 =	simm.s32 $0x1B8B  }
0xa4: {  	_ =	swait.ge [sflag:s23], $0x1  }
0xa5: {  	[sflag:s23] =	ssyncset.done $0x0  }
0xa6: {  	s25 =	simm.s32 $0x1B8E;
	s24 =	sld [smem:$0x3FFE];
	[sflag:s23] =	ssyncadd.s32 $0xFFFFFFFF  }
0xa7: {  	s26 =	simm.s32 $execute0_lowered;
	[smem:$0x3FD2] =	sst s25  }
0xa8: {  	s7 =	sshll.u32 s26, $0x1;
	_ =	strace $0x80000046;
	[dreg:$0x1] =	wrdreg $0xFFFFFFFF  }
0xa9: {  	s28 =	simm.s32 $_size_execute0_lowered;
	s5 =	sadd.s32 s5, s7;
	[dreg:$0x0] =	wrdreg $0x0  }
0xaa: {  	s7 =	sshll.u32 s28, $0x1;
	[dreg:$0x2] =	wrdreg s5  }
0xab: {  	[dreg:$0x3] =	wrdreg s7  }
0xac: {  	[dreg:$0x4] =	wrdreg $0xC0  }
0xad: {  	_ =	task [dreg:s9], $0x5FFFF  }
0xae: {  	[dreg:$0x1] =	wrdreg $0xFFFFFFFF  }
0xaf: {  	[dreg:$0x0] =	wrdreg $0x60  }
0xb0: {  	[dreg:$0x2] =	wrdreg s2  }
0xb1: {  	[dreg:$0x3] =	wrdreg s24  }
0xb2: {  	[dreg:$0x4] =	wrdreg s18  }
0xb3: {  	[dreg:$0x5] =	wrdreg s4  }
0xb4: {  	[dreg:$0x6] =	wrdreg $0x9  }
0xb5: {  	_ =	task.clear_ibuf [dreg:s9], $0x7FFFF;
	_ =	strace $0x90000046  }
0xb6: {  	s29 =	simm.s32 $0x9;
	_ =	strace $0x80000048  }
0xb7: {  	_ =	swait.ge [sflag:s29], $0x1  }
0xb8: {  	[sflag:s29] =	ssyncadd.s32 $0xFFFFFFFF  }
0xb9: {  	_ =	strace $0x90000048  }
0xba: {  	_ =	sfence  }
0xbb: {  	s30 =	sld [smem:$0x0];
	_ =	sdelay $0x2  }
0xbc: {  	s31 =	sshll.u32 s1, $0xD;
	s1 =	sshrl.u32 s1, $0x2  }
0xbd: {  	s3 =	sand.u32 $0x4000, s31;
	s1 =	sadd.s32 s1, s30  }
0xbe: {  	s0 =	sor.u32 s3, s0;
	s1 =	sshll.u32 s1, $0x11  }
0xbf: {  	s0 =	sor.u32 s1, s0  }
0xc0: {  	s0 =	sadd.s32 $0x8F2B, s0  }
0xc1: {  	[sflag:s0] =	ssyncadd.remote.s32 $0x1  }
0xc2: {  	_ =	sfence.sel $0xFFFF  }
0xc3: {  	[dreg:$0x0] =	wrdreg $0xFFFFFFFF;
	(pc) =	sbr.abs _section_cstart, $3  }
0xc4: {  	[dreg:$0x1] =	wrdreg $0xFFFFFFFF  }
0xc5: {  	_ =	task.clear_ibuf [dreg:s9], $0x2FFFF;
	_ =	strace $0x9FFFFFFF  }
0xc6: {  	(tm) =	ssettm $0x7FFFFFFF  }
0xc7: {  	_ =	shalt  }
tec
execute0_lowered:
.L_overlay_start_1:
0x0: {  	(tag) =	ssettag $0x1  }
0x1: {  	s1 =	rddreg [dreg:$0x0]  }
0x2: {  	s0 =	rddreg [dreg:$0x1]  }
0x3: {  	s2 =	rddreg [dreg:$0x3];
	s3 =	srdreg.scid  }
0x4: {  	s7 =	stileid.u32;
	s4 =	simm.s32 $0x0;
	s18 =	simm.s32 $0x4  }
0x5: {  	s28 =	simm.s32 $0x10980;
	s29 =	simm.s32 $0x10A00;
	s30 =	simm.s32 $0x10A80  }
0x6: {  	s31 =	simm.s32 $0x10B00;
	s3 =	sand.u32 $0x1, s3;
	s5 =	sshll.u32 s7, $0xE  }
0x7: {  	[smem:$0x7FF] =	sst s4;
	s20 =	sshll.u32 s7, $0x3;
	s15 =	sshll.u32 s7, $0xA  }
0x8: {  	s14 =	sshll.u32 s3, $0x9;
	_ =	strace $0x80000047;
	s6 =	sshll.u32 s3, $0x2  }
0x9: {  	s3 =	ssub.s32 $0x2, s3;
	s16 =	sor.u32 $0x4000, s15;
	s5 =	sor.u32 s14, s5  }
0xa: {  	s21 =	sshrl.u32 s3, $0x1;
	s8 =	sor.u32 s14, s15;
	s23 =	sor.u32 $0x80, s14  }
0xb: {  	s17 =	sor.u32 $0x100, s14;
	s14 =	sor.u32 $0x180, s14;
	s5 =	sshrl.u32 s5, $0x3  }
0xc: {  	s3 =	ssub.s32 s3, s21;
	s9 =	sshrl.u32 s8, $0x3;
	s11 =	sor.u32 s15, s23  }
0xd: {  	s13 =	sor.u32 s15, s17;
	s25 =	sor.u32 s17, s16;
	s15 =	sor.u32 s15, s14  }
0xe: {  	s0 =	sadd.s32 s5, s0;
	s5 =	sor.u32 s6, s20;
	s9 =	sadd.s32 s2, s9  }
0xf: {  	s11 =	sshrl.u32 s11, $0x3;
	s24 =	sshrl.u32 s13, $0x3;
	s26 =	sshrl.u32 s15, $0x3  }
0x10: {  	s17 =	smax.u32 s3, $0x1;
	s22 =	sshll.u32 s5, $0xF;
	s7 =	sadd.s32 $0xA00, s0  }
0x11: {  	s10 =	sadd.s32 $0x800, s9;
	s0 =	sor.u32 s23, s16;
	s11 =	sadd.s32 s2, s11  }
.Ltmp0:
0x12: {  	s13 =	sadd.s32 s2, s24;
	s16 =	sor.u32 s14, s16;
	(pc) =	sbr.rel .LBB2_1-.Ltmp0, $4  }
0x13: {  	v6 =	vimm.s32 $0x6;
	s15 =	sadd.s32 s2, s26;
	s26 =	simm.s32 $0x10900;
	s6 =	sadd.s32 s1, s22  }
0x14: {  	v7 =	vimm.s32 $0x7;
	v8 =	vimm.s32 $0x8;
	v9 =	vimm.s32 $0x9;
	s0 =	sshrl.u32 s0, $0x3;
	s16 =	sshrl.u32 s16, $0x3;
	s8 =	sadd.s32 $0x800, s6  }
0x15: {  	v10 =	vimm.s32 $0xA;
	v11 =	vimm.s32 $0xB;
	v12 =	vimm.s32 $0xC;
	s12 =	sadd.s32 s2, s0;
	s0 =	sshrl.u32 s25, $0x3;
	s16 =	sadd.s32 s2, s16  }
0x16: {  	v13 =	vimm.s32 $0xD;
	v14 =	vimm.s32 $0xE;
	v15 =	vimm.s32 $0xF;
	s14 =	sadd.s32 s2, s0;
	s0 =	simm.s32 $0x10B80;
	s2 =	simm.s32 $0x0  }
.LBB2_10:
0x17: {  	[tilespmem:$0x10B80] =	vst v24  }
0x18: {  	[tilespmem:$0x10B90] =	vst v23  }
0x19: {  	[tilespmem:$0x10BA0] =	vst v22  }
0x1a: {  	[tilespmem:$0x10BB0] =	vst v21  }
0x1b: {  	[tilespmem:$0x10BC0] =	vst v20  }
0x1c: {  	[tilespmem:$0x10BD0] =	vst v19  }
0x1d: {  	[tilespmem:$0x10BE0] =	vst v18  }
0x1e: {  	[tilespmem:$0x10BF0] =	vst v17;
	s3 =	simm.s32 $0x10800  }
0x1f: {  	[hbm4b:s9+s4] =	stream.linear.scatter [tilespmem:s3], [sflag:$0x4], $0x80, $0x38;
	[tilespmem:$0x10C00] =	vst v63  }
0x20: {  	_ =	swait.ge [sflag:s18], $0x80  }
0x21: {  	[sflag:s18] =	ssyncset.done $0x0  }
0x22: {  	s25 =	simm.s32 $0x10880;
	[sflag:s18] =	ssyncadd.s32 $0xFFFFFF80  }
0x23: {  	[hbm4b:s10+s4] =	stream.linear.scatter [tilespmem:s25], [sflag:$0x4], $0x80, $0x38;
	[tilespmem:$0x10C00] =	vst v63  }
0x24: {  	_ =	swait.ge [sflag:s18], $0x80  }
0x25: {  	[sflag:s18] =	ssyncset.done $0x0  }
0x26: {  	[sflag:s18] =	ssyncadd.s32 $0xFFFFFF80  }
0x27: {  	[hbm4b:s11+s4] =	stream.linear.scatter [tilespmem:s26], [sflag:$0x4], $0x80, $0x38;
	[tilespmem:$0x10C00] =	vst v63  }
0x28: {  	_ =	swait.ge [sflag:s18], $0x80  }
0x29: {  	[sflag:s18] =	ssyncset.done $0x0  }
0x2a: {  	[sflag:s18] =	ssyncadd.s32 $0xFFFFFF80  }
0x2b: {  	[hbm4b:s12+s4] =	stream.linear.scatter [tilespmem:s28], [sflag:$0x4], $0x80, $0x38;
	[tilespmem:$0x10C00] =	vst v63  }
0x2c: {  	_ =	swait.ge [sflag:s18], $0x80  }
0x2d: {  	[sflag:s18] =	ssyncset.done $0x0  }
0x2e: {  	[sflag:s18] =	ssyncadd.s32 $0xFFFFFF80  }
0x2f: {  	[hbm4b:s13+s4] =	stream.linear.scatter [tilespmem:s29], [sflag:$0x4], $0x80, $0x38;
	[tilespmem:$0x10C00] =	vst v63  }
0x30: {  	_ =	swait.ge [sflag:s18], $0x80  }
0x31: {  	[sflag:s18] =	ssyncset.done $0x0  }
0x32: {  	[sflag:s18] =	ssyncadd.s32 $0xFFFFFF80  }
0x33: {  	[hbm4b:s14+s4] =	stream.linear.scatter [tilespmem:s30], [sflag:$0x4], $0x80, $0x38;
	[tilespmem:$0x10C00] =	vst v63  }
0x34: {  	_ =	swait.ge [sflag:s18], $0x80  }
0x35: {  	[sflag:s18] =	ssyncset.done $0x0  }
0x36: {  	[sflag:s18] =	ssyncadd.s32 $0xFFFFFF80  }
0x37: {  	[hbm4b:s15+s4] =	stream.linear.scatter [tilespmem:s31], [sflag:$0x4], $0x80, $0x38;
	[tilespmem:$0x10C00] =	vst v63  }
0x38: {  	s2 =	sadd.s32 $0x1, s2;
	_ =	swait.ge [sflag:s18], $0x80  }
0x39: {  	p0 =	sne.s32 s2, s17;
	[sflag:s18] =	ssyncset.done $0x0  }
.Ltmp1:
0x3a: {  	[sflag:s18] =	ssyncadd.s32 $0xFFFFFF80;
	(pc) =	sbr.rel @!p0 .LBB2_11-.Ltmp1, $4  }
0x3b: {  	[hbm4b:s16+s4] =	stream.linear.scatter [tilespmem:s0], [sflag:$0x4], $0x80, $0x38;
	[tilespmem:$0x10C00] =	vst v63  }
0x3c: {  	_ =	swait.ge [sflag:s18], $0x80  }
0x3d: {  	[sflag:s18] =	ssyncset.done $0x0  }
0x3e: {  	[sflag:s18] =	ssyncadd.s32 $0xFFFFFF80  }
.LBB2_1:
0x3f: {  	s3 =	rddreg [dreg:$0x2]  }
0x40: {  	[tilespmem:s4], [sflag:$0x4] =	stream.linear.gather [hbm4b:s3+s4], $0x800, $0x38;
	[tilespmem:$0x10C00] =	vst v63  }
0x41: {  	_ =	swait.ge [sflag:s18], $0x800  }
0x42: {  	s25 =	simm.s32 $0x200;
	[sflag:s18] =	ssyncset.done $0x0  }
0x43: {  	s19 =	simm.s32 $0x400;
	s20 =	simm.s32 $0x2800;
	[sflag:s18] =	ssyncadd.s32 $0xFFFFF800  }
0x44: {  	[tilespmem:s20], [sflag:$0x4] =	stream.strided.gather [hbm4b:s7+s25], $0x2000, s19, s25, $0x38;
	[tilespmem:$0x10C00] =	vst v63  }
0x45: {  	s21 =	sand.u32 $0x180, s4;
	_ =	swait.ge [sflag:s18], $0x2000  }
0x46: {  	s22 =	sand.u32 $0x1E00, s4;
	s23 =	sand.u32 $0x70, s4;
	[sflag:s18] =	ssyncset.done $0x0  }
0x47: {  	s3 =	sor.u32 s21, s22;
	s19 =	simm.s32 $0x4800;
	[sflag:s18] =	ssyncadd.s32 $0xFFFFE000  }
0x48: {  	[tilespmem:s19], [sflag:$0x1] =	stream.linear.gather [hbm4b:s6+s4], $0x4000, $0x38;
	[tilespmem:$0x10C00] =	vst v63  }
0x49: {  	s3 =	sor.u32 s23, s3;
	s20 =	simm.s32 $0x8800  }
0x4a: {  	[tilespmem:s20], [sflag:$0x2] =	stream.linear.gather [hbm4b:s8+s4], $0x4000, $0x38;
	[tilespmem:$0x10C00] =	vst v63  }
0x4b: {  	s24 =	sand.u32 $0x7F0, s4;
	v16 =	vld [tilespmem:s3+$0x2800]  }
0x4c: {  	v17 =	vld [tilespmem:s24+$0x0];
	_ =	sdelay $0x2  }
0x4d: {  	s25 =	simm.s32 $0x1;
	s20 =	simm.s32 $0x40  }
0x4e: {  	s21 =	sand.u32 $0x180, s25;
	s19 =	simm.s32 $0x10;
	s23 =	sand.u32 $0x1E00, s20  }
0x4f: {  	s22 =	sand.u32 $0x70, s19;
	s23 =	sor.u32 s21, s23;
	s21 =	simm.s32 $0x2;
	v16 =	vmul.f32 v17, v16  }
.LBB2_2:
0x50: {  	p0 =	sne.s32 s21, $0x1FF;
	s22 =	sor.u32 s22, s23  }
0x51: {  	s23 =	sand.u32 $0x7F0, s19;
	v17 =	vld [tilespmem:s22+$0x2800];
	[tilespmem:s3+$0x800] =	vst v16;
	s3 =	smov.u32 s22  }
0x52: {  	v16 =	vld [tilespmem:s23+$0x0]  }
.Ltmp2:
0x53: {  	(pc) =	sbr.rel @p0 .LBB2_2-.Ltmp2, $4  }
0x54: {  	_ = 	snop  }
0x55: {  	s20 =	sadd.s32 $0x40, s20  }
0x56: {  	s19 =	sadd.s32 $0x10, s19;
	s24 =	sand.u32 $0x1E00, s20;
	s23 =	sand.u32 $0x180, s21  }
0x57: {  	s22 =	sand.u32 $0x70, s19;
	s21 =	sadd.s32 $0x1, s21;
	s23 =	sor.u32 s23, s24;
	v16 =	vmul.f32 v16, v17  }
0x58: {  	s20 =	sor.u32 s22, s23  }
0x59: {  	s19 =	sand.u32 $0x7F0, s19;
	v17 =	vld [tilespmem:s20+$0x2800];
	[tilespmem:s3+$0x800] =	vst v16  }
0x5a: {  	v16 =	vld [tilespmem:s19+$0x0];
	_ =	sdelay $0x2  }
.Ltmp3:
0x5b: {  	_ = 	snop;
	(pc) =	sbr.rel .LBB2_4-.Ltmp3, $4  }
0x5c: {  	_ = 	snop  }
0x5d: {  	v18 =	vimm.f32 $0.0e+00;
	v19 =	vimm.f32 $0.0e+00;
	v16 =	vmul.f32 v16, v17  }
0x5e: {  	v20 =	vimm.f32 $0.0e+00;
	v21 =	vimm.f32 $0.0e+00;
	v22 =	vimm.f32 $0.0e+00  }
0x5f: {  	v23 =	vimm.f32 $0.0e+00;
	v24 =	vimm.f32 $0.0e+00;
	s3 =	simm.s32 $0x0;
	v17 =	vimm.f32 $0.0e+00;
	[tilespmem:s20+$0x800] =	vst v16  }
.LBB2_5:
0x60: {  	p0 =	sgt.u32 s3, $0xAF  }
0x61: {  	s21 =	sadd.s32 @!p0 $0x2, s21  }
0x62: {  	s22 =	sand.u32 @!p0 $0xFF, s21  }
0x63: {  	s22 =	smul.u32 @!p0 $0xAB, s22;
	_ =	sdelay $0x1  }
0x64: {  	s23 =	sshrl.u32 @!p0 s22, $0x9  }
0x65: {  	s23 =	smul.u32 @!p0 $0x3, s23;
	_ =	sdelay $0x1  }
0x66: {  	s21 =	ssub.s32 @!p0 s21, s23  }
0x67: {  	s21 =	sand.u32 @!p0 $0xFF, s21  }
0x68: {  	s23 =	sshrl.u32 @!p0 s22, $0xA;
	s22 =	sshll.u32 @!p0 s22, $0x5;
	s21 =	sshll.u32 @!p0 s21, $0xB  }
0x69: {  	s23 =	sadd.s32 @!p0 s23, s5;
	s22 =	sand.u32 @!p0 $0x4000, s22;
	s21 =	sadd.s32 @!p0 s1, s21  }
0x6a: {  	s23 =	sshll.u32 @!p0 s23, $0xF;
	s21 =	sadd.s32 @!p0 s22, s21  }
0x6b: {  	s22 =	simm.s32 @!p0 $0x0;
	s21 =	sadd.s32 @!p0 s23, s21;
	s23 =	simm.s32 @!p0 $0x4800  }
0x6c: {  	[tilespmem:s23], [sflag:$0x1] =	stream.linear.gather @!p0 [hbm4b:s21+s22], $0x4000, $0x38;
	[tilespmem:$0x10C00] =	vst v63  }
0x6d: {  	s21 =	simm.s32 @!p0 $0x2  }
0x6e: {  	s21 =	simm.s32 @p0 $0x2  }
.LBB2_8:
0x6f: {  	_ =	swait.ge [sflag:s21], $0x4000  }
0x70: {  	[sflag:s21] =	ssyncset.done $0x0  }
0x71: {  	[sflag:s21] =	ssyncadd.s32 $0xFFFFC000  }
.LBB2_9:
0x72: {  	s22 =	smul.u32 $0xAB, s3;
	_ =	sdelay $0x1  }
0x73: {  	s21 =	sshrl.u32 s22, $0xC  }
0x74: {  	s23 =	sand.u32 $0xF, s21  }
0x75: {  	s21 =	smul.u32 $0x18, s23;
	_ =	sdelay $0x1  }
0x76: {  	p0 =	seq.s32 s3, $0x0;
	s21 =	ssub.s32 s3, s21  }
0x77: {  	s24 =	sand.u32 @!p0 $0xFF, s21  }
0x78: {  	p1 =	sne.s32 @!p0 s24, $0x0  }
0x79: {  	p0 =	por p1, p0  }
0x7a: {  	s24 =	sshll.u32 @!p0 s23, $0x7  }
0x7b: {  	[tilespmem:s24+$0x10780] =	vst @!p0 v24  }
0x7c: {  	[tilespmem:s24+$0x10790] =	vst @!p0 v23  }
0x7d: {  	[tilespmem:s24+$0x107A0] =	vst @!p0 v22  }
0x7e: {  	[tilespmem:s24+$0x107B0] =	vst @!p0 v21  }
0x7f: {  	[tilespmem:s24+$0x107C0] =	vst @!p0 v20  }
0x80: {  	[tilespmem:s24+$0x107D0] =	vst @!p0 v19  }
0x81: {  	s20 =	sshll.u32 s20, $0xE;
	s19 =	sshll.u32 s19, $0xB;
	[tilespmem:s24+$0x107E0] =	vst @!p0 v18  }
0x82: {  	s19 =	sor.u32 s19, s20;
	[tilespmem:s24+$0x107F0] =	vst @!p0 v17  }
0x83: {  	v25 =	vld [tilespmem:s19+$0x4800]  }
0x84: {  	v26 =	vld [tilespmem:s19+$0x4810]  }
0x85: {  	v27 =	vld [tilespmem:s19+$0x4820]  }
0x86: {  	v28 =	vld [tilespmem:s19+$0x4830]  }
0x87: {  	v29 =	vld [tilespmem:s19+$0x4840]  }
0x88: {  	v30 =	vld [tilespmem:s19+$0x4850]  }
0x89: {  	v31 =	vld [tilespmem:s19+$0x4860]  }
0x8a: {  	v32 =	vld [tilespmem:s19+$0x4870]  }
0x8b: {  	v33 =	vld [tilespmem:s19+$0x4880]  }
0x8c: {  	v34 =	vld [tilespmem:s19+$0x4890]  }
0x8d: {  	v35 =	vld [tilespmem:s19+$0x48A0]  }
0x8e: {  	v36 =	vld [tilespmem:s19+$0x48B0]  }
0x8f: {  	v37 =	vld [tilespmem:s19+$0x48C0]  }
0x90: {  	v38 =	vld [tilespmem:s19+$0x48D0]  }
0x91: {  	v39 =	vld [tilespmem:s19+$0x48E0]  }
0x92: {  	v40 =	vld [tilespmem:s19+$0x48F0]  }
0x93: {  	v41 =	vld [tilespmem:s19+$0x4900]  }
0x94: {  	v42 =	vld [tilespmem:s19+$0x4910]  }
0x95: {  	v43 =	vld [tilespmem:s19+$0x4920]  }
0x96: {  	v44 =	vld [tilespmem:s19+$0x4930]  }
0x97: {  	v45 =	vld [tilespmem:s19+$0x4940]  }
0x98: {  	v46 =	vld [tilespmem:s19+$0x4950]  }
0x99: {  	v47 =	vld [tilespmem:s19+$0x4960]  }
0x9a: {  	v48 =	vld [tilespmem:s19+$0x4970]  }
0x9b: {  	v49 =	vld [tilespmem:s19+$0x4980]  }
0x9c: {  	v50 =	vld [tilespmem:s19+$0x4990]  }
0x9d: {  	s21 =	sand.u32 $0xFF, s21;
	v51 =	vld [tilespmem:s19+$0x49A0]  }
0x9e: {  	s25 =	sshll.u32 s21, $0x6;
	s23 =	sshll.u32 s23, $0xC;
	v52 =	vld [tilespmem:s19+$0x49B0]  }
0x9f: {  	s23 =	sor.u32 s25, s23;
	s25 =	sshrl.u32 s22, $0x2;
	v53 =	vld [tilespmem:s19+$0x49C0]  }
0xa0: {  	s22 =	sshrl.u32 s22, $0x6;
	s25 =	sand.u32 $0x2000, s25;
	s23 =	sand.u32 $0x1600, s23;
	v54 =	vld [tilespmem:s19+$0x49D0]  }
0xa1: {  	s22 =	sand.u32 $0x180, s22;
	v55 =	vld [tilespmem:s19+$0x49E0];
	s23 =	sor.u32 s23, s25;
	s25 =	sshll.u32 s21, $0x4  }
0xa2: {  	v56 =	vld [tilespmem:s19+$0x49F0];
	s25 =	sand.u32 $0x70, s25;
	s22 =	sor.u32 s22, s23  }
0xa3: {  	v57 =	vld [tilespmem:s19+$0x4A00];
	s22 =	sor.u32 s25, s22  }
0xa4: {  	v16 =	vld [tilespmem:s22+$0x800]  }
0xa5: {  	v58 =	vld [tilespmem:s19+$0x4A10]  }
0xa6: {  	v59 =	vld [tilespmem:s19+$0x4A20]  }
0xa7: {  	v60 =	vld [tilespmem:s19+$0x4A30]  }
0xa8: {  	v1 =	vimm.s32 $0x0;
	v61 =	vld [tilespmem:s19+$0x4A40]  }
0xa9: {  	v62 =	vld [tilespmem:s19+$0x4A50];
	v1 =	vperm.xlane v16, v1  }
0xaa: {  	p6 =	seq.s32 s21, $0x0;
	v63 =	vld [tilespmem:s19+$0x4A60]  }
0xab: {  	v24 =	vpsel p6, $0x0, v24;
	v23 =	vpsel p6, $0x0, v23;
	v0 =	vld [tilespmem:s19+$0x4A70];
	v25 =	vmul.f32 v25, v1  }
0xac: {  	v22 =	vpsel p6, $0x0, v22;
	v21 =	vpsel p6, $0x0, v21;
	v2 =	vld [tilespmem:s19+$0x4A80];
	v26 =	vmul.f32 v26, v1  }
0xad: {  	v20 =	vpsel p6, $0x0, v20;
	v3 =	vld [tilespmem:s19+$0x4A90];
	v24 =	vadd.f32 v25, v24;
	v25 =	vmul.f32 v27, v1  }
0xae: {  	v19 =	vpsel p6, $0x0, v19;
	v18 =	vpsel p6, $0x0, v18;
	v4 =	vld [tilespmem:s19+$0x4AA0];
	v23 =	vadd.f32 v26, v23  }
0xaf: {  	v5 =	vld [tilespmem:s19+$0x4AB0];
	v26 =	vmul.f32 v29, v1;
	v22 =	vadd.f32 v25, v22;
	v25 =	vimm.s32 $0x1  }
0xb0: {  	v17 =	vpsel p6, $0x0, v17;
	v27 =	vmul.f32 v28, v1;
	v28 =	vld [tilespmem:s19+$0x4AC0];
	v25 =	vperm.xlane v16, v25  }
0xb1: {  	v29 =	vmul.f32 v30, v1;
	v30 =	vld [tilespmem:s19+$0x4AD0];
	v20 =	vadd.f32 v26, v20;
	v26 =	vmul.f32 v31, v1  }
0xb2: {  	v21 =	vadd.f32 v27, v21;
	v27 =	vld [tilespmem:s19+$0x4AE0];
	v1 =	vmul.f32 v32, v1;
	v31 =	vmul.f32 v33, v25  }
0xb3: {  	v19 =	vadd.f32 v29, v19;
	v29 =	vld [tilespmem:s19+$0x4AF0];
	v18 =	vadd.f32 v26, v18;
	v26 =	vmul.f32 v34, v25  }
0xb4: {  	v32 =	vld [tilespmem:s19+$0x4B00];
	v1 =	vadd.f32 v1, v17;
	v17 =	vadd.f32 v31, v24;
	v24 =	vmul.f32 v35, v25  }
0xb5: {  	v33 =	vld [tilespmem:s19+$0x4B10];
	v34 =	vmul.f32 v37, v25;
	v23 =	vadd.f32 v26, v23;
	v26 =	vmul.f32 v36, v25  }
0xb6: {  	v37 =	vld [tilespmem:s19+$0x4B40];
	v36 =	vimm.s32 $0x2;
	v22 =	vadd.f32 v24, v22;
	v24 =	vmul.f32 v38, v25  }
0xb7: {  	v31 =	vld [tilespmem:s19+$0x4B20];
	v36 =	vperm.xlane v16, v36;
	v21 =	vadd.f32 v26, v21;
	v26 =	vmul.f32 v39, v25  }
0xb8: {  	v35 =	vld [tilespmem:s19+$0x4B30];
	v19 =	vadd.f32 v24, v19;
	v24 =	vmul.f32 v40, v25  }
0xb9: {  	v20 =	vadd.f32 v34, v20;
	v34 =	vld [tilespmem:s19+$0x4B50];
	v18 =	vadd.f32 v26, v18;
	v26 =	vmul.f32 v42, v36  }
0xba: {  	v38 =	vld [tilespmem:s19+$0x4B60];
	v1 =	vadd.f32 v24, v1;
	v24 =	vmul.f32 v44, v36  }
0xbb: {  	v39 =	vmul.f32 v43, v36;
	v43 =	vld [tilespmem:s19+$0x4BB0];
	v23 =	vadd.f32 v26, v23;
	v26 =	vmul.f32 v45, v36  }
0xbc: {  	v40 =	vld [tilespmem:s19+$0x4B70];
	v21 =	vadd.f32 v24, v21;
	v24 =	vmul.f32 v46, v36;
	v46 =	vimm.s32 $0x3  }
0xbd: {  	v25 =	vmul.f32 v41, v36;
	v42 =	vld [tilespmem:s19+$0x4BA0];
	v22 =	vadd.f32 v39, v22;
	v41 =	vperm.xlane v16, v46  }
0xbe: {  	v39 =	vld [tilespmem:s19+$0x4B90];
	v20 =	vadd.f32 v26, v20;
	v26 =	vmul.f32 v47, v36;
	v36 =	vmul.f32 v48, v36  }
0xbf: {  	v17 =	vadd.f32 v25, v17;
	v25 =	vld [tilespmem:s19+$0x4B80];
	v19 =	vadd.f32 v24, v19;
	v24 =	vmul.f32 v49, v41  }
0xc0: {  	v45 =	vld [tilespmem:s19+$0x4BC0];
	v18 =	vadd.f32 v26, v18;
	v1 =	vadd.f32 v36, v1;
	v26 =	vmul.f32 v51, v41  }
0xc1: {  	v44 =	vld [tilespmem:s19+$0x4BE0];
	v50 =	vmul.f32 v50, v41;
	v17 =	vadd.f32 v24, v17;
	v24 =	vmul.f32 v52, v41  }
0xc2: {  	v47 =	vld [tilespmem:s19+$0x4BF0];
	v22 =	vadd.f32 v26, v22;
	v26 =	vmul.f32 v53, v41;
	v53 =	vimm.s32 $0x4  }
0xc3: {  	v48 =	vld [tilespmem:s19+$0x4C20];
	v55 =	vmul.f32 v55, v41;
	v23 =	vadd.f32 v50, v23;
	v46 =	vperm.xlane v16, v53  }
0xc4: {  	v36 =	vld [tilespmem:s19+$0x4BD0];
	v21 =	vadd.f32 v24, v21;
	v24 =	vmul.f32 v54, v41;
	v20 =	vadd.f32 v26, v20  }
0xc5: {  	v49 =	vld [tilespmem:s19+$0x4C00];
	v26 =	vmul.f32 v56, v41;
	v56 =	vimm.s32 $0x5;
	v57 =	vmul.f32 v57, v46  }
0xc6: {  	v51 =	vld [tilespmem:s19+$0x4C60];
	v18 =	vadd.f32 v55, v18;
	v61 =	vmul.f32 v61, v46;
	v53 =	vperm.xlane v16, v56  }
0xc7: {  	v50 =	vld [tilespmem:s19+$0x4C10];
	v0 =	vmul.f32 v0, v46;
	v56 =	vperm.xlane v16, v9;
	v19 =	vadd.f32 v24, v19  }
0xc8: {  	v52 =	vld [tilespmem:s19+$0x4C40];
	v24 =	vmul.f32 v58, v46;
	v1 =	vadd.f32 v26, v1;
	v26 =	vmul.f32 v59, v46  }
0xc9: {  	v55 =	vld [tilespmem:s19+$0x4DB0];
	v17 =	vadd.f32 v57, v17;
	v2 =	vmul.f32 v2, v53;
	v3 =	vmul.f32 v3, v53  }
0xca: {  	v41 =	vld [tilespmem:s19+$0x4C30];
	v20 =	vadd.f32 v61, v20;
	v4 =	vmul.f32 v4, v53;
	v58 =	vmul.f32 v5, v53  }
0xcb: {  	v54 =	vld [tilespmem:s19+$0x4C50];
	v23 =	vadd.f32 v24, v23;
	v24 =	vmul.f32 v60, v46;
	v22 =	vadd.f32 v26, v22  }
0xcc: {  	v5 =	vld [tilespmem:s19+$0x4C90];
	v26 =	vmul.f32 v62, v46;
	v0 =	vadd.f32 v0, v1;
	v60 =	vperm.xlane v16, v7  }
0xcd: {  	v57 =	vadd.f32 v2, v17;
	v17 =	vmul.f32 v28, v53;
	v28 =	vld [tilespmem:s19+$0x4CB0];
	v21 =	vadd.f32 v24, v21  }
0xce: {  	v24 =	vmul.f32 v63, v46;
	v19 =	vadd.f32 v26, v19;
	v26 =	vld [tilespmem:s19+$0x4C70];
	v3 =	vadd.f32 v3, v23  }
0xcf: {  	v4 =	vadd.f32 v4, v22;
	v22 =	vld [tilespmem:s19+$0x4CA0];
	v23 =	vperm.xlane v16, v6;
	v62 =	vmul.f32 v45, v60  }
0xd0: {  	v63 =	vperm.xlane v16, v8;
	v45 =	vld [tilespmem:s19+$0x4E70];
	v2 =	vadd.f32 v58, v21;
	v21 =	vmul.f32 v30, v53  }
0xd1: {  	v46 =	vld [tilespmem:s19+$0x4E90];
	v17 =	vadd.f32 v17, v20;
	v20 =	vmul.f32 v27, v53;
	v18 =	vadd.f32 v24, v18  }
0xd2: {  	v27 =	vmul.f32 v29, v53;
	v29 =	vld [tilespmem:s19+$0x4CC0];
	v19 =	vadd.f32 v21, v19;
	v21 =	vmul.f32 v32, v23  }
0xd3: {  	v24 =	vld [tilespmem:s19+$0x4C80];
	v59 =	vmul.f32 v33, v23;
	v18 =	vadd.f32 v20, v18;
	v20 =	vmul.f32 v31, v23  }
0xd4: {  	v30 =	vld [tilespmem:s19+$0x4CF0];
	v61 =	vmul.f32 v38, v23;
	v1 =	vadd.f32 v21, v57;
	v21 =	vmul.f32 v35, v23  }
0xd5: {  	v33 =	vld [tilespmem:s19+$0x4D00];
	v5 =	vmul.f32 v5, v56;
	v4 =	vadd.f32 v20, v4;
	v20 =	vmul.f32 v37, v23  }
0xd6: {  	v0 =	vadd.f32 v27, v0;
	v27 =	vld [tilespmem:s19+$0x4CE0];
	v2 =	vadd.f32 v21, v2;
	v21 =	vmul.f32 v34, v23  }
0xd7: {  	v38 =	vld [tilespmem:s19+$0x4D50];
	v3 =	vadd.f32 v59, v3;
	v17 =	vadd.f32 v20, v17;
	v20 =	vmul.f32 v40, v23  }
0xd8: {  	v53 =	vld [tilespmem:s19+$0x4DA0];
	v26 =	vmul.f32 v26, v63;
	v19 =	vadd.f32 v21, v19;
	v21 =	vmul.f32 v39, v60  }
0xd9: {  	v58 =	vld [tilespmem:s19+$0x4DD0];
	v18 =	vadd.f32 v61, v18;
	v0 =	vadd.f32 v20, v0;
	v20 =	vmul.f32 v42, v60  }
0xda: {  	v32 =	vld [tilespmem:s19+$0x4CD0];
	v23 =	vmul.f32 v25, v60;
	v3 =	vadd.f32 v21, v3;
	v21 =	vmul.f32 v43, v60  }
0xdb: {  	v59 =	vld [tilespmem:s19+$0x4E10];
	v27 =	vmul.f32 v27, v56;
	v4 =	vadd.f32 v20, v4;
	v20 =	vmul.f32 v36, v60  }
0xdc: {  	v35 =	vld [tilespmem:s19+$0x4D10];
	v1 =	vadd.f32 v23, v1;
	v2 =	vadd.f32 v21, v2;
	v21 =	vmul.f32 v44, v60  }
0xdd: {  	v37 =	vld [tilespmem:s19+$0x4D70];
	v42 =	vperm.xlane v16, v11;
	v19 =	vadd.f32 v20, v19;
	v20 =	vmul.f32 v47, v60  }
0xde: {  	v57 =	vld [tilespmem:s19+$0x4DC0];
	v47 =	vmul.f32 v49, v63;
	v18 =	vadd.f32 v21, v18;
	v21 =	vmul.f32 v50, v63  }
0xdf: {  	v25 =	vld [tilespmem:s19+$0x4D20];
	v49 =	vmul.f32 v48, v63;
	v0 =	vadd.f32 v20, v0;
	v20 =	vmul.f32 v41, v63  }
0xe0: {  	v34 =	vld [tilespmem:s19+$0x4D30];
	v17 =	vadd.f32 v62, v17;
	v3 =	vadd.f32 v21, v3;
	v21 =	vmul.f32 v52, v63  }
0xe1: {  	v40 =	vld [tilespmem:s19+$0x4D80];
	v31 =	vmul.f32 v53, v42;
	v4 =	vadd.f32 v49, v4;
	v2 =	vadd.f32 v20, v2  }
0xe2: {  	v23 =	vld [tilespmem:s19+$0x4D40];
	v20 =	vmul.f32 v54, v63;
	v17 =	vadd.f32 v21, v17;
	v21 =	vmul.f32 v51, v63  }
0xe3: {  	v39 =	vld [tilespmem:s19+$0x4D60];
	v0 =	vadd.f32 v26, v0;
	v3 =	vadd.f32 v5, v3;
	v5 =	vmul.f32 v28, v56  }
0xe4: {  	v62 =	vld [tilespmem:s19+$0x4E30];
	v26 =	vperm.xlane v16, v10;
	v18 =	vadd.f32 v21, v18;
	v21 =	vmul.f32 v22, v56  }
0xe5: {  	v53 =	vld [tilespmem:s19+$0x4F30];
	v19 =	vadd.f32 v20, v19;
	v2 =	vadd.f32 v5, v2;
	v5 =	vmul.f32 v32, v56  }
0xe6: {  	v60 =	vld [tilespmem:s19+$0x4E20];
	v1 =	vadd.f32 v47, v1;
	v4 =	vadd.f32 v21, v4;
	v21 =	vmul.f32 v29, v56  }
0xe7: {  	v48 =	vld [tilespmem:s19+$0x4EC0];
	v49 =	vperm.xlane v16, v12;
	v5 =	vadd.f32 v5, v19;
	v19 =	vmul.f32 v35, v26  }
0xe8: {  	v50 =	vld [tilespmem:s19+$0x4D90];
	v20 =	vmul.f32 v24, v56;
	v17 =	vadd.f32 v21, v17;
	v21 =	vmul.f32 v30, v56  }
0xe9: {  	v47 =	vld [tilespmem:s19+$0x4EA0];
	v61 =	vmul.f32 v33, v26;
	v3 =	vadd.f32 v19, v3;
	v19 =	vmul.f32 v34, v26  }
0xea: {  	v52 =	vld [tilespmem:s19+$0x4F20];
	v1 =	vadd.f32 v20, v1;
	v0 =	vadd.f32 v21, v0;
	v21 =	vmul.f32 v25, v26  }
0xeb: {  	v22 =	vld [tilespmem:s19+$0x4DF0];
	v18 =	vadd.f32 v27, v18;
	v2 =	vadd.f32 v19, v2;
	v19 =	vmul.f32 v39, v26  }
0xec: {  	v24 =	vld [tilespmem:s19+$0x4DE0];
	v23 =	vmul.f32 v23, v26;
	v4 =	vadd.f32 v21, v4;
	v21 =	vmul.f32 v38, v26  }
0xed: {  	v20 =	vld [tilespmem:s19+$0x4E00];
	v1 =	vadd.f32 v61, v1;
	v18 =	vadd.f32 v19, v18;
	v19 =	vmul.f32 v50, v42  }
0xee: {  	v54 =	vld [tilespmem:s19+$0x4F40];
	v56 =	vperm.xlane v16, v14;
	v5 =	vadd.f32 v21, v5;
	v21 =	vmul.f32 v37, v26  }
0xef: {  	v63 =	vld [tilespmem:s19+$0x4E60];
	v17 =	vadd.f32 v23, v17;
	v3 =	vadd.f32 v19, v3;
	v19 =	vmul.f32 v57, v42  }
0xf0: {  	v51 =	vld [tilespmem:s19+$0x4EF0];
	v22 =	vmul.f32 v22, v42;
	v26 =	vmul.f32 v40, v42;
	v0 =	vadd.f32 v21, v0  }
0xf1: {  	v27 =	vld [tilespmem:s19+$0x4E40];
	v21 =	vmul.f32 v55, v42;
	v17 =	vadd.f32 v19, v17;
	v19 =	vmul.f32 v24, v42  }
0xf2: {  	v20 =	vmul.f32 v20, v49;
	v25 =	vld [tilespmem:s19+$0x4E50];
	v4 =	vadd.f32 v31, v4;
	v1 =	vadd.f32 v26, v1  }
0xf3: {  	v23 =	vld [tilespmem:s19+$0x4E80];
	v2 =	vadd.f32 v21, v2;
	v21 =	vmul.f32 v58, v42;
	v18 =	vadd.f32 v19, v18  }
0xf4: {  	v50 =	vld [tilespmem:s19+$0x4ED0];
	v0 =	vadd.f32 v22, v0;
	v19 =	vmul.f32 v60, v49;
	v1 =	vadd.f32 v20, v1  }
0xf5: {  	v57 =	vld [tilespmem:s19+$0x4F80];
	v20 =	vmul.f32 v62, v49;
	v5 =	vadd.f32 v21, v5;
	v21 =	vmul.f32 v59, v49  }
0xf6: {  	v26 =	vld [tilespmem:s19+$0x4EB0];
	v4 =	vadd.f32 v19, v4;
	v19 =	vmul.f32 v27, v49;
	v27 =	vperm.xlane v16, v13  }
0xf7: {  	v22 =	vld [tilespmem:s19+$0x4F00];
	v2 =	vadd.f32 v20, v2;
	v20 =	vmul.f32 v25, v49;
	v25 =	vmul.f32 v63, v49  }
0xf8: {  	v24 =	vld [tilespmem:s19+$0x4EE0];
	v16 =	vperm.xlane v16, v15;
	v17 =	vadd.f32 v19, v17;
	v19 =	vmul.f32 v45, v49  }
0xf9: {  	v55 =	vld [tilespmem:s19+$0x4F70];
	v3 =	vadd.f32 v21, v3;
	v5 =	vadd.f32 v20, v5;
	v20 =	vmul.f32 v46, v27  }
0xfa: {  	v21 =	vld [tilespmem:s19+$0x4F10];
	v23 =	vmul.f32 v23, v27;
	v0 =	vadd.f32 v19, v0;
	v19 =	vmul.f32 v47, v27  }
0xfb: {  	v58 =	vld [tilespmem:s19+$0x4FC0];
	v18 =	vadd.f32 v25, v18;
	v3 =	vadd.f32 v20, v3;
	v20 =	vmul.f32 v26, v27  }
0xfc: {  	v59 =	vld [tilespmem:s19+$0x4FF0];
	v22 =	vmul.f32 v22, v56;
	v4 =	vadd.f32 v19, v4;
	v19 =	vmul.f32 v50, v27  }
0xfd: {  	v25 =	vld [tilespmem:s19+$0x4F50];
	v26 =	vmul.f32 v48, v27;
	v2 =	vadd.f32 v20, v2;
	v20 =	vmul.f32 v24, v27  }
0xfe: {  	v1 =	vadd.f32 v23, v1;
	v23 =	vld [tilespmem:s19+$0x4F60];
	v5 =	vadd.f32 v19, v5;
	v19 =	vmul.f32 v51, v27  }
0xff: {  	v17 =	vadd.f32 v26, v17;
	v24 =	vld [tilespmem:s19+$0x4F90];
	v18 =	vadd.f32 v20, v18;
	v20 =	vmul.f32 v21, v56  }
0x100: {  	v26 =	vld [tilespmem:s19+$0x4FA0];
	v21 =	vmul.f32 v52, v56;
	v0 =	vadd.f32 v19, v0;
	v19 =	vmul.f32 v53, v56  }
0x101: {  	v61 =	vmul.f32 v58, v16;
	v27 =	vld [tilespmem:s19+$0x4FB0];
	v3 =	vadd.f32 v20, v3;
	v20 =	vmul.f32 v54, v56  }
0x102: {  	v4 =	vadd.f32 v21, v4;
	v21 =	vld [tilespmem:s19+$0x4FD0];
	v2 =	vadd.f32 v19, v2;
	v19 =	vmul.f32 v25, v56  }
0x103: {  	v1 =	vadd.f32 v22, v1;
	v25 =	vld [tilespmem:s19+$0x4FE0];
	v17 =	vadd.f32 v20, v17;
	v20 =	vmul.f32 v23, v56  }
0x104: {  	s3 =	sadd.s32 $0x1, s3;
	v22 =	vmul.f32 v55, v56;
	v23 =	vmul.f32 v24, v16;
	v5 =	vadd.f32 v19, v5  }
0x105: {  	p0 =	sne.s32 s3, $0xC0;
	v19 =	vmul.f32 v57, v16;
	v18 =	vadd.f32 v20, v18;
	v20 =	vmul.f32 v26, v16  }
.Ltmp4:
0x106: {  	v0 =	vadd.f32 v22, v0;
	v60 =	vmul.f32 v27, v16;
	v23 =	vadd.f32 v23, v3;
	(pc) =	sbr.rel @!p0 .LBB2_10-.Ltmp4, $4  }
0x107: {  	v63 =	vmul.f32 v59, v16;
	v24 =	vadd.f32 v19, v1;
	v22 =	vadd.f32 v20, v4  }
0x108: {  	v4 =	vmul.f32 v21, v16;
	v21 =	vadd.f32 v60, v2;
	v62 =	vmul.f32 v25, v16  }
0x109: {  	v20 =	vadd.f32 v61, v17;
	v17 =	vadd.f32 v63, v0  }
0x10a: {  	v19 =	vadd.f32 v4, v5;
	v18 =	vadd.f32 v62, v18  }
.LBB2_4:
0x10b: {  	s21 =	sshrl.u32 s3, $0x3  }
0x10c: {  	s19 =	smul.u32 $0xAB, s21;
	_ =	sdelay $0x1  }
0x10d: {  	s19 =	sshrl.u32 s19, $0x9  }
0x10e: {  	s19 =	sand.u32 $0x7F, s19  }
0x10f: {  	s19 =	smul.u32 $0x3, s19;
	_ =	sdelay $0x1  }
0x110: {  	s22 =	ssub.s32 s21, s19  }
0x111: {  	s19 =	sand.u32 $0x7, s3;
	s20 =	sand.u32 $0xFF, s22  }
0x112: {  	s23 =	sor.u32 s20, s19  }
0x113: {  	p0 =	sne.s32 s23, $0x0  }
0x114: {  	p1 =	sgt.u32 @!p0 s3, $0xAF  }
0x115: {  	p1 =	por p1, p0  }
0x116: {  	s23 =	sadd.s32 @!p1 $0x2, s21  }
0x117: {  	s24 =	sand.u32 @!p1 $0xFF, s23  }
0x118: {  	s24 =	smul.u32 @!p1 $0xAB, s24;
	_ =	sdelay $0x1  }
0x119: {  	s25 =	sshrl.u32 @!p1 s24, $0x9  }
0x11a: {  	s25 =	smul.u32 @!p1 $0x3, s25;
	_ =	sdelay $0x1  }
0x11b: {  	s23 =	ssub.s32 @!p1 s23, s25  }
0x11c: {  	s23 =	sand.u32 @!p1 $0xFF, s23  }
0x11d: {  	s25 =	sshrl.u32 @!p1 s24, $0xA;
	s24 =	sshll.u32 @!p1 s24, $0x5;
	s23 =	sshll.u32 @!p1 s23, $0xB  }
0x11e: {  	s25 =	sadd.s32 @!p1 s25, s5;
	s24 =	sand.u32 @!p1 $0x4000, s24;
	s23 =	sadd.s32 @!p1 s1, s23  }
0x11f: {  	s25 =	sshll.u32 @!p1 s25, $0xF;
	s23 =	sadd.s32 @!p1 s24, s23  }
0x120: {  	s24 =	simm.s32 @!p1 $0x0;
	s23 =	sadd.s32 @!p1 s25, s23;
	s25 =	simm.s32 @!p1 $0xC800  }
0x121: {  	[tilespmem:s25], [sflag:$0x3] =	stream.linear.gather @!p1 [hbm4b:s23+s24], $0x4000, $0x38;
	[tilespmem:$0x10C00] =	vst v63  }
0x122: {  	p1 =	sne.s32 s19, $0x0  }
0x123: {  	s22 =	sand.u32 @!p1 $0xFF, s22  }
0x124: {  	p2 =	sne.s32 @!p1 s22, $0x1  }
0x125: {  	p2 =	por p1, p2  }
.Ltmp5:
0x126: {  	_ = 	snop;
	(pc) =	sbr.rel @!p2 .LBB2_5-.Ltmp5, $4  }
0x127: {  	s23 =	simm.s32 @!p0 $0x1  }
0x128: {  	_ =	swait.ge @!p0 [sflag:s23], $0x4000  }
0x129: {  	[sflag:s23] =	ssyncset.done @!p0 $0x0  }
0x12a: {  	[sflag:s23] =	ssyncadd.s32 @!p0 $0xFFFFC000  }
0x12b: {  	p0 =	sne.s32 @!p1 s22, $0x2  }
0x12c: {  	p0 =	por p1, p0  }
.Ltmp6:
0x12d: {  	_ = 	snop;
	(pc) =	sbr.rel @p0 .LBB2_9-.Ltmp6, $1  }
0x12e: {  	_ =	sdelay $0x3  }
0x12f: {  	p0 =	sgt.u32 s3, $0xAF  }
0x130: {  	s21 =	sadd.s32 @!p0 $0x2, s21  }
0x131: {  	s22 =	sand.u32 @!p0 $0xFF, s21  }
0x132: {  	s22 =	smul.u32 @!p0 $0xAB, s22;
	_ =	sdelay $0x1  }
0x133: {  	s23 =	sshrl.u32 @!p0 s22, $0x9  }
0x134: {  	s23 =	smul.u32 @!p0 $0x3, s23;
	_ =	sdelay $0x1  }
0x135: {  	s21 =	ssub.s32 @!p0 s21, s23  }
0x136: {  	s21 =	sand.u32 @!p0 $0xFF, s21  }
0x137: {  	s23 =	sshrl.u32 @!p0 s22, $0xA;
	s22 =	sshll.u32 @!p0 s22, $0x5;
	s21 =	sshll.u32 @!p0 s21, $0xB  }
0x138: {  	s23 =	sadd.s32 @!p0 s23, s5;
	s22 =	sand.u32 @!p0 $0x4000, s22;
	s21 =	sadd.s32 @!p0 s1, s21  }
.Ltmp7:
0x139: {  	s23 =	sshll.u32 @!p0 s23, $0xF;
	s21 =	sadd.s32 @!p0 s22, s21;
	(pc) =	sbr.rel .LBB2_8-.Ltmp7, $4  }
0x13a: {  	s22 =	simm.s32 @!p0 $0x0;
	s21 =	sadd.s32 @!p0 s23, s21;
	s23 =	simm.s32 @!p0 $0x8800  }
0x13b: {  	[tilespmem:s23], [sflag:$0x2] =	stream.linear.gather @!p0 [hbm4b:s21+s22], $0x4000, $0x38;
	[tilespmem:$0x10C00] =	vst v63  }
0x13c: {  	s21 =	simm.s32 @!p0 $0x3  }
0x13d: {  	s21 =	simm.s32 @p0 $0x3  }
.LBB2_11:
0x13e: {  	_ =	sfence.sel $0x180000  }
0x13f: {  	[bflag:$0x0] =	sbarrier.arrive $0xFFFF  }
0x140: {  	_ =	strace $0x90000047  }
0x141: {  	s0 =	stileid.u32;
	[bflag:$0x2] =	sbarrier.arrive $0xFFFF  }
0x142: {  	p0 =	sne.s32 s0, $0x0;
	s0 =	rddreg [dreg:$0x4]  }
0x143: {  	s0 =	sadd.s32 @!p0 $0x100000, s0  }
0x144: {  	[sflag:s0] =	ssyncadd.tile.s32 @!p0 $0x1;
	_ =	shalt  }
.Lfunc_end2:
_tile_overlayer_lowered:
.L_overlay_start_2:
0x145: {  	(tag) =	ssettag $0x2  }
0x146: {  	s0 =	rddreg [dreg:$0x0];
	s2 =	stileid.u32  }
0x147: {  	s1 =	rddreg [dreg:$0x1];
	p0 =	sne.s32 s2, $0x0  }
0x148: {  	s3 =	rddreg [dreg:$0x2];
	[bflag:$0x3] =	sbarrier.arrive $0xFFFF;
	s2 =	simm.s32 @!p0 $0x1C04  }
0x149: {  	[timem:s3], [sflag:s2] =	dma.local @!p0 [hbm:s0], s1  }
0x14a: {  	s0 =	simm.s32 @!p0 $0x4  }
0x14b: {  	_ =	swait.ge @!p0 [sflag:s0], s1  }
0x14c: {  	s1 =	ssub.s32 @!p0 $0x0, s1;
	[sflag:s0] =	ssyncset.done @!p0 $0x0  }
0x14d: {  	[sflag:s0] =	ssyncadd.s32 @!p0 s1  }
0x14e: {  	[bflag:$0x3] =	sbarrier.arrive $0xFFFF  }
0x14f: {  	_ =	shalt  }

</sc_bundles>
